<compile_context>
chip_gen: v7x
topology: tpu7x:2x2x1
jax: 0.10.2.dev20260603
libtpu: 0.0.44.dev20260713+nightly
codegen_flags: <defaults>
</compile_context>

<pallas_src>
import functools

import jax
import jax.numpy as jnp
from jax import lax
from jax.experimental import pallas as pl
from jax.experimental.pallas import tpu as pltpu
from jax.experimental.pallas import tpu_sc as plsc

N = 10000
E = 320000
H = 128
NC = 2
NS = 16
NW = NC * NS
L = 16
EPW = E // NW
K = 80
NCHUNK = EPW // K
NR = 624
NTAIL = N - NS * NR

_mesh = plsc.VectorSubcoreMesh(
    core_axis_name="c", subcore_axis_name="s", num_cores=NC, num_subcores=NS)
_sc_params = pltpu.CompilerParams(needs_layout_passes=False)


def _k0_body(wl_ref, wem_ref, bem_ref, bl_ref, w1_ref, b1_ref, wih_ref,
             bih_ref, bhh_ref, ac_ref, uv_ref):
    wl = wl_ref[...]
    a = jnp.sum(wl * wem_ref[...], keepdims=True)
    c = jnp.sum(wl * bem_ref[...], keepdims=True) + bl_ref[...]
    ac_ref[...] = jnp.concatenate([a, c], axis=1)
    wih = wih_ref[...]
    u = lax.dot_general(w1_ref[...], wih, (((1,), (1,)), ((), ())), precision=lax.Precision.HIGHEST)
    v = (lax.dot_general(b1_ref[...], wih, (((1,), (1,)), ((), ())), precision=lax.Precision.HIGHEST)
         + bih_ref[...] + bhh_ref[...])
    uv_ref[...] = jnp.concatenate([u, v], axis=0)


def _k0(wl, wem_row, bem_row, bl, w1_row, b1_row, w_ih, b_ih_row, b_hh_row):
    return pl.pallas_call(
        _k0_body,
        out_shape=(jax.ShapeDtypeStruct((1, 2), jnp.float32),
                   jax.ShapeDtypeStruct((2, 4 * H), jnp.float32)),
    )(wl, wem_row, bem_row, bl, w1_row, b1_row, w_ih, b_ih_row, b_hh_row)


@functools.partial(
    pl.kernel,
    out_type=jax.ShapeDtypeStruct((NW * N,), jnp.float32),
    mesh=_mesh,
    compiler_params=_sc_params,
    scratch_types=[
        pltpu.VMEM((N,), jnp.float32),
        pltpu.VMEM((N,), jnp.float32),
        pltpu.VMEM((K,), jnp.int32),
        pltpu.VMEM((K,), jnp.int32),
        pltpu.VMEM((K,), jnp.float32),
        pltpu.VMEM((L,), jnp.float32),
    ],
)
def _k1(x_hbm, src_hbm, dst_hbm, ea_hbm, scal_hbm, out_hbm,
        xt, accv, sidx, didx, eav, scv):
    wid = lax.axis_index("s") * NC + lax.axis_index("c")
    pltpu.sync_copy(x_hbm, xt)
    pltpu.sync_copy(scal_hbm, scv)
    zero = jnp.zeros((L,), jnp.float32)

    def _zero(i, _):
        accv[pl.ds(i * L, L)] = zero
        return None
    lax.fori_loop(0, N // L, _zero, None)

    a = plsc.load_gather(scv, [jnp.full((L,), 1, jnp.int32)])
    c = plsc.load_gather(scv, [jnp.full((L,), 2, jnp.int32)])

    def _chunk(ci, _):
        base = wid * EPW + ci * K
        pltpu.sync_copy(src_hbm.at[pl.ds(base, K)], sidx)
        pltpu.sync_copy(dst_hbm.at[pl.ds(base, K)], didx)
        pltpu.sync_copy(ea_hbm.at[pl.ds(base, K)], eav)

        def _grp(g, _):
            s16 = sidx[pl.ds(g * L, L)]
            d16 = didx[pl.ds(g * L, L)]
            e16 = eav[pl.ds(g * L, L)]
            xv = plsc.load_gather(xt, [s16])
            m = jnp.maximum(xv + a * e16 + c, 0.0)
            plsc.addupdate_scatter(accv, [d16], m)
            return None
        lax.fori_loop(0, K // L, _grp, None)
        return None
    lax.fori_loop(0, NCHUNK, _chunk, None)
    pltpu.sync_copy(accv, out_hbm.at[pl.ds(wid * N, N)])


def _k2a_body(x_ref, parts_ref, s_ref):
    s_ref[...] = x_ref[...] + jnp.sum(parts_ref[...], axis=0, keepdims=True)


def _k2a(x_row, parts):
    return pl.pallas_call(
        _k2a_body,
        out_shape=jax.ShapeDtypeStruct((1, N), jnp.float32),
    )(x_row, parts)


_BN = 1000


_TA = (4.89352455891786e-03, 6.37261928875436e-04, 1.48572235717979e-05,
       5.12229709037114e-08, -8.60467152213735e-11, 2.00018790482477e-13,
       -2.76076847742355e-16)
_TB = (4.89352518554385e-03, 2.26843463243900e-03, 1.18534705686654e-04,
       1.19825839466702e-06)


def _tanh(x):
    xc = jnp.clip(x, -7.90531110763549805, 7.90531110763549805)
    x2 = xc * xc
    num = jnp.float32(_TA[6])
    for a_ in _TA[5::-1]:
        num = num * x2 + a_
    num = num * xc
    den = jnp.float32(_TB[3])
    for b_ in _TB[2::-1]:
        den = den * x2 + b_
    return jnp.where(jnp.abs(x) < 0.0004, x, num / den)


def _sigmoid(x):
    return 0.5 * _tanh(0.5 * x) + 0.5


def _k2b_body(s_ref, uv_ref, hn_ref, c_ref):
    s = s_ref[...]
    u = uv_ref[0:1, :]
    v = uv_ref[1:2, :]
    i = _sigmoid(s * u[:, 0:H] + v[:, 0:H])
    g = _tanh(s * u[:, 2 * H:3 * H] + v[:, 2 * H:3 * H])
    o = _sigmoid(s * u[:, 3 * H:4 * H] + v[:, 3 * H:4 * H])
    c = i * g
    hn_ref[...] = o * _tanh(c)
    c_ref[...] = c


def _k2b(s_col, uv):
    return pl.pallas_call(
        _k2b_body,
        grid=(N // _BN,),
        in_specs=[
            pl.BlockSpec((_BN, 1), lambda i: (i, 0)),
            pl.BlockSpec((2, 4 * H), lambda i: (0, 0)),
        ],
        out_specs=[
            pl.BlockSpec((_BN, H), lambda i: (i, 0)),
            pl.BlockSpec((_BN, H), lambda i: (i, 0)),
        ],
        out_shape=(jax.ShapeDtypeStruct((N, H), jnp.float32),
                   jax.ShapeDtypeStruct((N, H), jnp.float32)),
    )(s_col, uv)


@functools.partial(
    pl.kernel,
    out_type=jax.ShapeDtypeStruct((NC, N, H), jnp.float32),
    mesh=_mesh,
    compiler_params=_sc_params,
    scratch_types=[
        pltpu.VMEM_SHARED((N, H), jnp.float32),
        pltpu.VMEM((K, H), jnp.float32),
        pltpu.VMEM((K,), jnp.int32),
        pltpu.VMEM((K,), jnp.int32),
        pltpu.VMEM((K,), jnp.float32),
        pltpu.VMEM((H,), jnp.float32),
        pltpu.VMEM((H,), jnp.float32),
        pltpu.SemaphoreType.DMA,
    ],
)
def _k3(hn_hbm, src_hbm, dst_hbm, ea_hbm, wem_hbm, bem_hbm, zero_hbm, out_hbm,
        acc, rows, sidx, didx, eav, wemv, bemv, sem):
    cid = lax.axis_index("c")
    sid = lax.axis_index("s")
    wid = sid * NC + cid
    pltpu.sync_copy(wem_hbm, wemv)
    pltpu.sync_copy(bem_hbm, bemv)

    r0 = sid * NR
    pltpu.sync_copy(zero_hbm.at[pl.ds(r0, NR)], acc.at[pl.ds(r0, NR)])

    @pl.when(sid == NS - 1)
    def _zero_tail():
        pltpu.sync_copy(zero_hbm.at[pl.ds(NS * NR, NTAIL)],
                        acc.at[pl.ds(NS * NR, NTAIL)])
    plsc.subcore_barrier()

    wreg = [wemv[pl.ds(h * L, L)] for h in range(H // L)]
    breg = [bemv[pl.ds(h * L, L)] for h in range(H // L)]

    def _chunk(ci, _):
        base = wid * EPW + ci * K
        pltpu.sync_copy(src_hbm.at[pl.ds(base, K)], sidx)
        pltpu.sync_copy(dst_hbm.at[pl.ds(base, K)], didx)
        pltpu.sync_copy(ea_hbm.at[pl.ds(base, K)], eav)
        pltpu.async_copy(hn_hbm.at[sidx], rows, sem).wait()

        @plsc.parallel_loop(0, K, 1, unroll=4)
        def _edge(e):
            eas = plsc.load_gather(eav, [jnp.full((L,), e, jnp.int32)])
            for h in range(H // L):
                seg = rows[e, pl.ds(h * L, L)]
                rows[e, pl.ds(h * L, L)] = jnp.maximum(
                    seg + eas * wreg[h] + breg[h], 0.0)
        pltpu.sync_copy(rows, acc.at[didx], add=True)
        return None
    lax.fori_loop(0, NCHUNK, _chunk, None)
    plsc.subcore_barrier()

    pltpu.sync_copy(acc.at[pl.ds(r0, NR)], out_hbm.at[cid, pl.ds(r0, NR)])

    @pl.when(sid == NS - 1)
    def _out_tail():
        pltpu.sync_copy(acc.at[pl.ds(NS * NR, NTAIL)],
                        out_hbm.at[cid, pl.ds(NS * NR, NTAIL)])


def _k4_body(hn_ref, p0_ref, p1_ref, w3_ref, b3_ref, wd_ref, bd_ref,
             p_ref, q_ref):
    z = hn_ref[...] + p0_ref[...] + p1_ref[...]
    h3 = lax.dot_general(z, w3_ref[...], (((1,), (1,)), ((), ())),
                         precision=lax.Precision.HIGHEST) + b3_ref[...]
    pq = lax.dot_general(h3, wd_ref[...], (((1,), (1,)), ((), ())),
                         precision=lax.Precision.HIGHEST)
    p_ref[...] = pq[:, 0:1]
    q_ref[...] = pq[:, 1:2] + bd_ref[...]


def _k4(hn, p0, p1, w3, b3_row, wd2, bd):
    return pl.pallas_call(
        _k4_body,
        grid=(N // _BN,),
        in_specs=[
            pl.BlockSpec((_BN, H), lambda i: (i, 0)),
            pl.BlockSpec((_BN, H), lambda i: (i, 0)),
            pl.BlockSpec((_BN, H), lambda i: (i, 0)),
            pl.BlockSpec((H, H), lambda i: (0, 0)),
            pl.BlockSpec((1, H), lambda i: (0, 0)),
            pl.BlockSpec((2, H), lambda i: (0, 0)),
            pl.BlockSpec((1, 1), lambda i: (0, 0)),
        ],
        out_specs=[
            pl.BlockSpec((_BN, 1), lambda i: (i, 0)),
            pl.BlockSpec((_BN, 1), lambda i: (i, 0)),
        ],
        out_shape=(jax.ShapeDtypeStruct((N, 1), jnp.float32),
                   jax.ShapeDtypeStruct((N, 1), jnp.float32)),
    )(hn, p0, p1, w3, b3_row, wd2, bd)


@functools.partial(
    pl.kernel,
    out_type=jax.ShapeDtypeStruct((E,), jnp.float32),
    mesh=_mesh,
    compiler_params=_sc_params,
    scratch_types=[
        pltpu.VMEM((N,), jnp.float32),
        pltpu.VMEM((N,), jnp.float32),
        pltpu.VMEM((K,), jnp.int32),
        pltpu.VMEM((K,), jnp.int32),
        pltpu.VMEM((K,), jnp.float32),
    ],
)
def _k5(p_hbm, q_hbm, src_hbm, dst_hbm, out_hbm, pt, qt, sidx, didx, obuf):
    wid = lax.axis_index("s") * NC + lax.axis_index("c")
    pltpu.sync_copy(p_hbm, pt)
    pltpu.sync_copy(q_hbm, qt)

    def _chunk(ci, _):
        base = wid * EPW + ci * K
        pltpu.sync_copy(src_hbm.at[pl.ds(base, K)], sidx)
        pltpu.sync_copy(dst_hbm.at[pl.ds(base, K)], didx)

        @plsc.parallel_loop(0, K // L, 1, unroll=5)
        def _grp(g):
            s16 = sidx[pl.ds(g * L, L)]
            d16 = didx[pl.ds(g * L, L)]
            obuf[pl.ds(g * L, L)] = (plsc.load_gather(pt, [s16])
                                     + plsc.load_gather(qt, [d16]))
        pltpu.sync_copy(obuf, out_hbm.at[pl.ds(base, K)])
        return None
    lax.fori_loop(0, NCHUNK, _chunk, None)


def kernel(x, edge_index, edge_attr, W_em, b_em, Wl, bl, W1, b1,
           w_ih, w_hh, b_ih, b_hh, W3, b3, Wd, bd):
    src = edge_index[0]
    dst = edge_index[1]
    ea = edge_attr.reshape(E)

    ac, uv = _k0(Wl, W_em.reshape(1, H), b_em.reshape(1, H),
                 bl.reshape(1, 1), W1.reshape(1, H), b1.reshape(1, H),
                 w_ih, b_ih.reshape(1, 4 * H), b_hh.reshape(1, 4 * H))
    scal = jnp.concatenate([jnp.zeros((1,), jnp.float32), ac.reshape(2),
                            jnp.zeros((L - 3,), jnp.float32)])

    parts1 = _k1(x.reshape(N), src, dst, ea, scal).reshape(NW, N)
    s_col = _k2a(x.reshape(1, N), parts1).reshape(N, 1)
    hn, cst = _k2b(s_col, uv)

    parts3 = _k3(hn, src, dst, ea, W_em.reshape(H), b_em,
                 jnp.zeros((N, H), jnp.float32))
    p, q = _k4(hn, parts3[0], parts3[1], W3, b3.reshape(1, H),
               Wd.reshape(2, H), bd.reshape(1, 1))

    out = _k5(p.reshape(N), q.reshape(N), src, dst)
    return (out.reshape(E, 1), hn[None], cst[None])

# --- scband reference (transcript-rebuilt; emitter-appended) ---
"""Pipeline reference for scband-graph-recurrent-58179626991923 (READ-ONLY COPY).

The authoritative reference and input builder live on the scoring server;
editing this copy changes nothing except your own understanding.
"""

import jax, jax.numpy as jnp
import numpy as np

H = 128
N = 10000
E = 320000

def setup_inputs(seed: int = 0):
    key = jax.random.key(seed)
    ks = jax.random.split(key, 20)
    x = jax.random.normal(ks[0], (N, 1), dtype=jnp.float32)
    edge_index = jax.random.randint(ks[1], (2, E), 0, N)
    edge_attr = jax.random.normal(ks[2], (E, 1), dtype=jnp.float32)
    s = 0.1
    # edge_map: Linear(1, 128)
    W_em = jax.random.normal(ks[3], (H, 1), dtype=jnp.float32) * s
    b_em = jax.random.normal(ks[4], (H,), dtype=jnp.float32) * s
    # conv1 GINEConv: edge projection Linear(edge_dim=128 -> in_channels=1), nn = Linear(1, 128)
    Wl = jax.random.normal(ks[5], (1, H), dtype=jnp.float32) * s
    bl = jax.random.normal(ks[6], (1,), dtype=jnp.float32) * s
    W1 = jax.random.normal(ks[7], (H, 1), dtype=jnp.float32) * s
    b1 = jax.random.normal(ks[8], (H,), dtype=jnp.float32) * s
    # LSTM(128, 128), single layer; gate order i, f, g, o
    w_ih = jax.random.normal(ks[9], (4 * H, H), dtype=jnp.float32) * s
    w_hh = jax.random.normal(ks[10], (4 * H, H), dtype=jnp.float32) * s
    b_ih = jax.random.normal(ks[11], (4 * H,), dtype=jnp.float32) * s
    b_hh = jax.random.normal(ks[12], (4 * H,), dtype=jnp.float32) * s
    # conv3 GINEConv: nn = Linear(128, 128), edge_dim == in_channels so no edge projection
    W3 = jax.random.normal(ks[13], (H, H), dtype=jnp.float32) * s
    b3 = jax.random.normal(ks[14], (H,), dtype=jnp.float32) * s
    # decode: Linear(256, 1)
    Wd = jax.random.normal(ks[15], (1, 2 * H), dtype=jnp.float32) * s
    bd = jax.random.normal(ks[16], (1,), dtype=jnp.float32) * s
    return {"x": x, "edge_index": edge_index, "edge_attr": edge_attr,
            "W_em": W_em, "b_em": b_em, "Wl": Wl, "bl": bl, "W1": W1, "b1": b1,
            "w_ih": w_ih, "w_hh": w_hh, "b_ih": b_ih, "b_hh": b_hh,
            "W3": W3, "b3": b3, "Wd": Wd, "bd": bd}

def reference(x, edge_index, edge_attr, W_em, b_em, Wl, bl, W1, b1, w_ih, w_hh, b_ih, b_hh, W3, b3, Wd, bd):
    src = edge_index[0]
    dst = edge_index[1]
    n = x.shape[0]
    # edge_map
    edge_embed = edge_attr @ W_em.T + b_em  # [E, 128]
    # conv1: GINEConv with eps=0. message = relu(x_j + lin(edge_attr)); aggr = sum at dst
    msg1 = jax.nn.relu(x[src] + (edge_embed @ Wl.T + bl))  # [E, 1]
    aggr1 = jax.ops.segment_sum(msg1, dst, num_segments=n)  # [N, 1]
    h = (x + aggr1) @ W1.T + b1  # [N, 128]
    # LSTM single step, zero initial state (h0 = c0 = 0)
    gates = h @ w_ih.T + b_ih + b_hh  # [N, 512]
    i, f, g, o = jnp.split(gates, 4, axis=-1)
    i = jax.nn.sigmoid(i)
    f = jax.nn.sigmoid(f)
    g = jnp.tanh(g)
    o = jax.nn.sigmoid(o)
    c = i * g  # f * c0 = 0
    hn = o * jnp.tanh(c)  # [N, 128]
    # conv3: GINEConv with eps=0, edge_dim == in_channels (no edge projection)
    msg3 = jax.nn.relu(hn[src] + edge_embed)  # [E, 128]
    aggr3 = jax.ops.segment_sum(msg3, dst, num_segments=n)  # [N, 128]
    h3 = (hn + aggr3) @ W3.T + b3  # [N, 128]
    # edge readout
    h1 = h3[src]
    h2 = h3[dst]
    hcat = jnp.concatenate([h1, h2], axis=-1)  # [E, 256]
    out = hcat @ Wd.T + bd  # [E, 1]
    state_h = hn[None]  # [1, N, 128]
    state_c = c[None]   # [1, N, 128]
    return (out, state_h, state_c)

if __name__ == "__main__":
    import jax
    _d = setup_inputs()
    print(jax.jit(kernel)(*tuple(_d.values())))

</pallas_src>

<mosaic_0001>
#map = affine_map<(d0, d1) -> (0)>
module attributes {stable_mosaic.version = 14 : i64} {
  func.func @_k1(%arg0: i32, %arg1: i32, %arg2: memref<10000xf32, #tpu.memory_space<hbm>>, %arg3: memref<320000xi32, #tpu.memory_space<hbm>>, %arg4: memref<320000xi32, #tpu.memory_space<hbm>>, %arg5: memref<320000xf32, #tpu.memory_space<hbm>>, %arg6: memref<16xf32, #tpu.memory_space<hbm>>, %arg7: memref<320000xf32, #tpu.memory_space<hbm>>, %arg8: memref<10000xf32, #tpu.memory_space<vmem>>, %arg9: memref<10000xf32, #tpu.memory_space<vmem>>, %arg10: memref<80xi32, #tpu.memory_space<vmem>>, %arg11: memref<80xi32, #tpu.memory_space<vmem>>, %arg12: memref<80xf32, #tpu.memory_space<vmem>>, %arg13: memref<16xf32, #tpu.memory_space<vmem>>) attributes {dimension_semantics = [#tpu.dimension_semantics<core_parallel>, #tpu.dimension_semantics<subcore_parallel>], iteration_bounds = array<i64: 2, 16>, scalar_prefetch = 0 : i64, scratch_operands = 6 : i64, tpu.core_type = #tpu.core_type<sc_vector_subcore>, window_params = [{transform_indices = #map}, {transform_indices = #map}, {transform_indices = #map}, {transform_indices = #map}, {transform_indices = #map}, {transform_indices = #map}]} {
    %mul3A = arith.constant 2 : i32
    %mul3A_0 = arith.muli %arg1, %mul3A : i32
    %add3A = arith.addi %mul3A_0, %arg0 : i32
    "tpu.region"() ({
      %run_scoped3A = tpu.sem_alloc : memref<!tpu.dma_semaphore, #tpu.memory_space<semaphore_mem>>
      tpu.enqueue_dma source(%arg2 : memref<10000xf32, #tpu.memory_space<hbm>>) target(%arg8 : memref<10000xf32, #tpu.memory_space<vmem>>) target_semaphore(%run_scoped3A : memref<!tpu.dma_semaphore, #tpu.memory_space<semaphore_mem>>)
      tpu.wait_dma2 semaphore(%run_scoped3A : memref<!tpu.dma_semaphore, #tpu.memory_space<semaphore_mem>>) src(%arg2 : memref<10000xf32, #tpu.memory_space<hbm>>) dst(%arg8 : memref<10000xf32, #tpu.memory_space<vmem>>)
      tpu.yield
    }) : () -> ()
    "tpu.region"() ({
      %run_scoped3A = tpu.sem_alloc : memref<!tpu.dma_semaphore, #tpu.memory_space<semaphore_mem>>
      tpu.enqueue_dma source(%arg6 : memref<16xf32, #tpu.memory_space<hbm>>) target(%arg13 : memref<16xf32, #tpu.memory_space<vmem>>) target_semaphore(%run_scoped3A : memref<!tpu.dma_semaphore, #tpu.memory_space<semaphore_mem>>)
      tpu.wait_dma2 semaphore(%run_scoped3A : memref<!tpu.dma_semaphore, #tpu.memory_space<semaphore_mem>>) src(%arg6 : memref<16xf32, #tpu.memory_space<hbm>>) dst(%arg13 : memref<16xf32, #tpu.memory_space<vmem>>)
      tpu.yield
    }) : () -> ()
    %broadcast_in_dim3A = arith.constant 0.000000e+00 : f32
    %broadcast_in_dim3A_1 = vector.broadcast %broadcast_in_dim3A : f32 to vector<16xf32>
    %scan3A = arith.constant 0 : i32
    %scan3A_2 = arith.constant 625 : i32
    %scan3A_3 = arith.addi %scan3A, %scan3A_2 : i32
    %scan3A_4 = arith.constant 1 : i32
    scf.for %scan3A_18 = %scan3A to %scan3A_3 step %scan3A_4  : i32 {
      %mul3A_19 = arith.constant 16 : i32
      %mul3A_20 = arith.muli %scan3A_18, %mul3A_19 : i32
      %swap3A = arith.index_cast %mul3A_20 : i32 to index
      %swap3A_21 = tpu.vector_load %arg9[%swap3A] {strides = array<i32>} : memref<10000xf32, #tpu.memory_space<vmem>>, vector<16xf32>,
      tpu.vector_store %arg9[%swap3A], %broadcast_in_dim3A_1 {strides = array<i32>} : memref<10000xf32, #tpu.memory_space<vmem>>, vector<16xf32>,
    }
    %scan3A_5 = arith.constant 625 : i32
    %broadcast_in_dim3A_6 = arith.constant 1 : i32
    %broadcast_in_dim3A_7 = vector.broadcast %broadcast_in_dim3A_6 : i32 to vector<16xi32>
    %gather3A = tpu.vector_load_idx %arg13[%broadcast_in_dim3A_7] : memref<16xf32, #tpu.memory_space<vmem>>[vector<16xi32>], vector<16xf32>,
    %broadcast_in_dim3A_8 = arith.constant 2 : i32
    %broadcast_in_dim3A_9 = vector.broadcast %broadcast_in_dim3A_8 : i32 to vector<16xi32>
    %gather3A_10 = tpu.vector_load_idx %arg13[%broadcast_in_dim3A_9] : memref<16xf32, #tpu.memory_space<vmem>>[vector<16xi32>], vector<16xf32>,
    %scan3A_11 = arith.constant 0 : i32
    %scan3A_12 = arith.constant 125 : i32
    %scan3A_13 = arith.addi %scan3A_11, %scan3A_12 : i32
    %scan3A_14 = arith.constant 1 : i32
    scf.for %scan3A_18 = %scan3A_11 to %scan3A_13 step %scan3A_14  : i32 {
      %mul3A_19 = arith.constant 10000 : i32
      %mul3A_20 = arith.muli %add3A, %mul3A_19 : i32
      %mul3A_21 = arith.constant 80 : i32
      %mul3A_22 = arith.muli %scan3A_18, %mul3A_21 : i32
      %add3A_23 = arith.addi %mul3A_20, %mul3A_22 : i32
      "tpu.region"() ({
        %run_scoped3A = tpu.sem_alloc : memref<!tpu.dma_semaphore, #tpu.memory_space<semaphore_mem>>
        %dma_start3A = tpu.memref_slice %arg3[%add3A_23] : memref<320000xi32, #tpu.memory_space<hbm>> -> memref<80xi32, #tpu.memory_space<hbm>>
        %dma_start3A_29 = tpu.memref_slice %arg3[%add3A_23] : memref<320000xi32, #tpu.memory_space<hbm>> -> memref<80xi32, #tpu.memory_space<hbm>>
        tpu.enqueue_dma source(%dma_start3A_29 : memref<80xi32, #tpu.memory_space<hbm>>) target(%arg10 : memref<80xi32, #tpu.memory_space<vmem>>) target_semaphore(%run_scoped3A : memref<!tpu.dma_semaphore, #tpu.memory_space<semaphore_mem>>)
        %dma_wait3A = tpu.memref_slice %arg3[%add3A_23] : memref<320000xi32, #tpu.memory_space<hbm>> -> memref<80xi32, #tpu.memory_space<hbm>>
        %dma_wait3A_30 = tpu.memref_slice %arg3[%add3A_23] : memref<320000xi32, #tpu.memory_space<hbm>> -> memref<80xi32, #tpu.memory_space<hbm>>
        tpu.wait_dma2 semaphore(%run_scoped3A : memref<!tpu.dma_semaphore, #tpu.memory_space<semaphore_mem>>) src(%dma_wait3A_30 : memref<80xi32, #tpu.memory_space<hbm>>) dst(%arg10 : memref<80xi32, #tpu.memory_space<vmem>>)
        tpu.yield
      }) : () -> ()
      "tpu.region"() ({
        %run_scoped3A = tpu.sem_alloc : memref<!tpu.dma_semaphore, #tpu.memory_space<semaphore_mem>>
        %dma_start3A = tpu.memref_slice %arg4[%add3A_23] : memref<320000xi32, #tpu.memory_space<hbm>> -> memref<80xi32, #tpu.memory_space<hbm>>
        %dma_start3A_29 = tpu.memref_slice %arg4[%add3A_23] : memref<320000xi32, #tpu.memory_space<hbm>> -> memref<80xi32, #tpu.memory_space<hbm>>
        tpu.enqueue_dma source(%dma_start3A_29 : memref<80xi32, #tpu.memory_space<hbm>>) target(%arg11 : memref<80xi32, #tpu.memory_space<vmem>>) target_semaphore(%run_scoped3A : memref<!tpu.dma_semaphore, #tpu.memory_space<semaphore_mem>>)
        %dma_wait3A = tpu.memref_slice %arg4[%add3A_23] : memref<320000xi32, #tpu.memory_space<hbm>> -> memref<80xi32, #tpu.memory_space<hbm>>
        %dma_wait3A_30 = tpu.memref_slice %arg4[%add3A_23] : memref<320000xi32, #tpu.memory_space<hbm>> -> memref<80xi32, #tpu.memory_space<hbm>>
        tpu.wait_dma2 semaphore(%run_scoped3A : memref<!tpu.dma_semaphore, #tpu.memory_space<semaphore_mem>>) src(%dma_wait3A_30 : memref<80xi32, #tpu.memory_space<hbm>>) dst(%arg11 : memref<80xi32, #tpu.memory_space<vmem>>)
        tpu.yield
      }) : () -> ()
      "tpu.region"() ({
        %run_scoped3A = tpu.sem_alloc : memref<!tpu.dma_semaphore, #tpu.memory_space<semaphore_mem>>
        %dma_start3A = tpu.memref_slice %arg5[%add3A_23] : memref<320000xf32, #tpu.memory_space<hbm>> -> memref<80xf32, #tpu.memory_space<hbm>>
        %dma_start3A_29 = tpu.memref_slice %arg5[%add3A_23] : memref<320000xf32, #tpu.memory_space<hbm>> -> memref<80xf32, #tpu.memory_space<hbm>>
        tpu.enqueue_dma source(%dma_start3A_29 : memref<80xf32, #tpu.memory_space<hbm>>) target(%arg12 : memref<80xf32, #tpu.memory_space<vmem>>) target_semaphore(%run_scoped3A : memref<!tpu.dma_semaphore, #tpu.memory_space<semaphore_mem>>)
        %dma_wait3A = tpu.memref_slice %arg5[%add3A_23] : memref<320000xf32, #tpu.memory_space<hbm>> -> memref<80xf32, #tpu.memory_space<hbm>>
        %dma_wait3A_30 = tpu.memref_slice %arg5[%add3A_23] : memref<320000xf32, #tpu.memory_space<hbm>> -> memref<80xf32, #tpu.memory_space<hbm>>
        tpu.wait_dma2 semaphore(%run_scoped3A : memref<!tpu.dma_semaphore, #tpu.memory_space<semaphore_mem>>) src(%dma_wait3A_30 : memref<80xf32, #tpu.memory_space<hbm>>) dst(%arg12 : memref<80xf32, #tpu.memory_space<vmem>>)
        tpu.yield
      }) : () -> ()
      %scan3A_24 = arith.constant 0 : i32
      %scan3A_25 = arith.constant 5 : i32
      %scan3A_26 = arith.addi %scan3A_24, %scan3A_25 : i32
      %scan3A_27 = arith.constant 1 : i32
      scf.for %scan3A_29 = %scan3A_24 to %scan3A_26 step %scan3A_27  : i32 {
        %mul3A_30 = arith.constant 16 : i32
        %mul3A_31 = arith.muli %scan3A_29, %mul3A_30 : i32
        %get3A = arith.index_cast %mul3A_31 : i32 to index
        %get3A_32 = tpu.vector_load %arg10[%get3A] {strides = array<i32>} : memref<80xi32, #tpu.memory_space<vmem>>, vector<16xi32>,
        %mul3A_33 = arith.constant 16 : i32
        %mul3A_34 = arith.muli %scan3A_29, %mul3A_33 : i32
        %get3A_35 = arith.index_cast %mul3A_34 : i32 to index
        %get3A_36 = tpu.vector_load %arg11[%get3A_35] {strides = array<i32>} : memref<80xi32, #tpu.memory_space<vmem>>, vector<16xi32>,
        %mul3A_37 = arith.constant 16 : i32
        %mul3A_38 = arith.muli %scan3A_29, %mul3A_37 : i32
        %get3A_39 = arith.index_cast %mul3A_38 : i32 to index
        %get3A_40 = tpu.vector_load %arg12[%get3A_39] {strides = array<i32>} : memref<80xf32, #tpu.memory_space<vmem>>, vector<16xf32>,
        %gather3A_41 = tpu.vector_load_idx %arg8[%get3A_32] : memref<10000xf32, #tpu.memory_space<vmem>>[vector<16xi32>], vector<16xf32>,
        %mul3A_42 = arith.mulf %gather3A, %get3A_40 : vector<16xf32>
        %add3A_43 = arith.addf %gather3A_41, %mul3A_42 : vector<16xf32>
        %add3A_44 = arith.addf %add3A_43, %gather3A_10 : vector<16xf32>
        %max3A = arith.constant 0.000000e+00 : f32
        %max3A_45 = vector.broadcast %max3A : f32 to vector<16xf32>
        %max3A_46 = arith.maximumf %add3A_44, %max3A_45 : vector<16xf32>
        tpu.vector_store_idx %arg9[%get3A_36], %max3A_46 {add = true} : memref<10000xf32, #tpu.memory_space<vmem>>[vector<16xi32>], vector<16xf32>,
      }
      %scan3A_28 = arith.constant 5 : i32
    }
    %scan3A_15 = arith.constant 125 : i32
    %mul3A_16 = arith.constant 10000 : i32
    %mul3A_17 = arith.muli %add3A, %mul3A_16 : i32
    "tpu.region"() ({
      %run_scoped3A = tpu.sem_alloc : memref<!tpu.dma_semaphore, #tpu.memory_space<semaphore_mem>>
      %dma_start3A = tpu.memref_slice %arg7[%mul3A_17] : memref<320000xf32, #tpu.memory_space<hbm>> -> memref<10000xf32, #tpu.memory_space<hbm>>
      %dma_start3A_18 = tpu.memref_slice %arg7[%mul3A_17] : memref<320000xf32, #tpu.memory_space<hbm>> -> memref<10000xf32, #tpu.memory_space<hbm>>
      tpu.enqueue_dma source(%arg9 : memref<10000xf32, #tpu.memory_space<vmem>>) target(%dma_start3A_18 : memref<10000xf32, #tpu.memory_space<hbm>>) target_semaphore(%run_scoped3A : memref<!tpu.dma_semaphore, #tpu.memory_space<semaphore_mem>>)
      %dma_wait3A = tpu.memref_slice %arg7[%mul3A_17] : memref<320000xf32, #tpu.memory_space<hbm>> -> memref<10000xf32, #tpu.memory_space<hbm>>
      %dma_wait3A_19 = tpu.memref_slice %arg7[%mul3A_17] : memref<320000xf32, #tpu.memory_space<hbm>> -> memref<10000xf32, #tpu.memory_space<hbm>>
      tpu.wait_dma2 semaphore(%run_scoped3A : memref<!tpu.dma_semaphore, #tpu.memory_space<semaphore_mem>>) src(%arg9 : memref<10000xf32, #tpu.memory_space<vmem>>) dst(%dma_wait3A_19 : memref<10000xf32, #tpu.memory_space<hbm>>)
      tpu.yield
    }) : () -> ()
    return
  }
}

#map = affine_map<(d0, d1) -> (0, 0)>
#map1 = affine_map<(d0, d1) -> (0)>
#map2 = affine_map<(d0, d1) -> (0, 0, 0)>
module attributes {stable_mosaic.version = 14 : i64} {
  func.func @_k3(%arg0: i32, %arg1: i32, %arg2: memref<10000x128xf32, #tpu.memory_space<hbm>>, %arg3: memref<320000xi32, #tpu.memory_space<hbm>>, %arg4: memref<320000xi32, #tpu.memory_space<hbm>>, %arg5: memref<320000xf32, #tpu.memory_space<hbm>>, %arg6: memref<128xf32, #tpu.memory_space<hbm>>, %arg7: memref<128xf32, #tpu.memory_space<hbm>>, %arg8: memref<10000x128xf32, #tpu.memory_space<hbm>>, %arg9: memref<2x10000x128xf32, #tpu.memory_space<hbm>>, %arg10: memref<10000x128xf32, #tpu.memory_space<vmem_shared>>, %arg11: memref<80x128xf32, #tpu.memory_space<vmem>>, %arg12: memref<80xi32, #tpu.memory_space<vmem>>, %arg13: memref<80xi32, #tpu.memory_space<vmem>>, %arg14: memref<80xf32, #tpu.memory_space<vmem>>, %arg15: memref<128xf32, #tpu.memory_space<vmem>>, %arg16: memref<128xf32, #tpu.memory_space<vmem>>, %arg17: memref<!tpu.dma_semaphore, #tpu.memory_space<semaphore_mem>>) attributes {dimension_semantics = [#tpu.dimension_semantics<core_parallel>, #tpu.dimension_semantics<subcore_parallel>], iteration_bounds = array<i64: 2, 16>, scalar_prefetch = 0 : i64, scratch_operands = 8 : i64, tpu.core_type = #tpu.core_type<sc_vector_subcore>, window_params = [{transform_indices = #map}, {transform_indices = #map1}, {transform_indices = #map1}, {transform_indices = #map1}, {transform_indices = #map1}, {transform_indices = #map1}, {transform_indices = #map}, {transform_indices = #map2}]} {
    %mul3A = arith.constant 2 : i32
    %mul3A_0 = arith.muli %arg1, %mul3A : i32
    %add3A = arith.addi %mul3A_0, %arg0 : i32
    "tpu.region"() ({
      %run_scoped3A = tpu.sem_alloc : memref<!tpu.dma_semaphore, #tpu.memory_space<semaphore_mem>>
      tpu.enqueue_dma source(%arg6 : memref<128xf32, #tpu.memory_space<hbm>>) target(%arg15 : memref<128xf32, #tpu.memory_space<vmem>>) target_semaphore(%run_scoped3A : memref<!tpu.dma_semaphore, #tpu.memory_space<semaphore_mem>>)
      tpu.wait_dma2 semaphore(%run_scoped3A : memref<!tpu.dma_semaphore, #tpu.memory_space<semaphore_mem>>) src(%arg6 : memref<128xf32, #tpu.memory_space<hbm>>) dst(%arg15 : memref<128xf32, #tpu.memory_space<vmem>>)
      tpu.yield
    }) : () -> ()
    "tpu.region"() ({
      %run_scoped3A = tpu.sem_alloc : memref<!tpu.dma_semaphore, #tpu.memory_space<semaphore_mem>>
      tpu.enqueue_dma source(%arg7 : memref<128xf32, #tpu.memory_space<hbm>>) target(%arg16 : memref<128xf32, #tpu.memory_space<vmem>>) target_semaphore(%run_scoped3A : memref<!tpu.dma_semaphore, #tpu.memory_space<semaphore_mem>>)
      tpu.wait_dma2 semaphore(%run_scoped3A : memref<!tpu.dma_semaphore, #tpu.memory_space<semaphore_mem>>) src(%arg7 : memref<128xf32, #tpu.memory_space<hbm>>) dst(%arg16 : memref<128xf32, #tpu.memory_space<vmem>>)
      tpu.yield
    }) : () -> ()
    %mul3A_1 = arith.constant 624 : i32
    %mul3A_2 = arith.muli %arg1, %mul3A_1 : i32
    "tpu.region"() ({
      %run_scoped3A = tpu.sem_alloc : memref<!tpu.dma_semaphore, #tpu.memory_space<semaphore_mem>>
      %dma_start3A = arith.constant 0 : i32
      %dma_start3A_46 = tpu.memref_slice %arg10[%mul3A_2, %dma_start3A] : memref<10000x128xf32, #tpu.memory_space<vmem_shared>> -> memref<624x128xf32, #tpu.memory_space<vmem_shared>>
      %dma_start3A_47 = arith.constant 0 : i32
      %dma_start3A_48 = tpu.memref_slice %arg8[%mul3A_2, %dma_start3A_47] : memref<10000x128xf32, #tpu.memory_space<hbm>> -> memref<624x128xf32, #tpu.memory_space<hbm>>
      tpu.enqueue_dma source(%dma_start3A_48 : memref<624x128xf32, #tpu.memory_space<hbm>>) target(%dma_start3A_46 : memref<624x128xf32, #tpu.memory_space<vmem_shared>>) target_semaphore(%run_scoped3A : memref<!tpu.dma_semaphore, #tpu.memory_space<semaphore_mem>>)
      %dma_wait3A = arith.constant 0 : i32
      %dma_wait3A_49 = tpu.memref_slice %arg10[%mul3A_2, %dma_wait3A] : memref<10000x128xf32, #tpu.memory_space<vmem_shared>> -> memref<624x128xf32, #tpu.memory_space<vmem_shared>>
      %dma_wait3A_50 = arith.constant 0 : i32
      %dma_wait3A_51 = tpu.memref_slice %arg8[%mul3A_2, %dma_wait3A_50] : memref<10000x128xf32, #tpu.memory_space<hbm>> -> memref<624x128xf32, #tpu.memory_space<hbm>>
      tpu.wait_dma2 semaphore(%run_scoped3A : memref<!tpu.dma_semaphore, #tpu.memory_space<semaphore_mem>>) src(%dma_wait3A_51 : memref<624x128xf32, #tpu.memory_space<hbm>>) dst(%dma_wait3A_49 : memref<624x128xf32, #tpu.memory_space<vmem_shared>>)
      tpu.yield
    }) : () -> ()
    %eq3A = arith.constant 15 : i32
    %eq3A_3 = arith.cmpi eq, %arg1, %eq3A : i32
    %convert_element_type3A = arith.extui %eq3A_3 : i1 to i32
    %cond3A = arith.constant 0 : i32
    %cond3A_4 = arith.cmpi ne, %convert_element_type3A, %cond3A : i32
    scf.if %cond3A_4 {
      "tpu.region"() ({
        %run_scoped3A = tpu.sem_alloc : memref<!tpu.dma_semaphore, #tpu.memory_space<semaphore_mem>>
        %dma_start3A = arith.constant 9984 : i32
        %dma_start3A_46 = arith.constant 0 : i32
        %dma_start3A_47 = tpu.memref_slice %arg10[%dma_start3A, %dma_start3A_46] : memref<10000x128xf32, #tpu.memory_space<vmem_shared>> -> memref<16x128xf32, #tpu.memory_space<vmem_shared>>
        %dma_start3A_48 = arith.constant 9984 : i32
        %dma_start3A_49 = arith.constant 0 : i32
        %dma_start3A_50 = tpu.memref_slice %arg8[%dma_start3A_48, %dma_start3A_49] : memref<10000x128xf32, #tpu.memory_space<hbm>> -> memref<16x128xf32, #tpu.memory_space<hbm>>
        tpu.enqueue_dma source(%dma_start3A_50 : memref<16x128xf32, #tpu.memory_space<hbm>>) target(%dma_start3A_47 : memref<16x128xf32, #tpu.memory_space<vmem_shared>>) target_semaphore(%run_scoped3A : memref<!tpu.dma_semaphore, #tpu.memory_space<semaphore_mem>>)
        %dma_wait3A = arith.constant 9984 : i32
        %dma_wait3A_51 = arith.constant 0 : i32
        %dma_wait3A_52 = tpu.memref_slice %arg10[%dma_wait3A, %dma_wait3A_51] : memref<10000x128xf32, #tpu.memory_space<vmem_shared>> -> memref<16x128xf32, #tpu.memory_space<vmem_shared>>
        %dma_wait3A_53 = arith.constant 9984 : i32
        %dma_wait3A_54 = arith.constant 0 : i32
        %dma_wait3A_55 = tpu.memref_slice %arg8[%dma_wait3A_53, %dma_wait3A_54] : memref<10000x128xf32, #tpu.memory_space<hbm>> -> memref<16x128xf32, #tpu.memory_space<hbm>>
        tpu.wait_dma2 semaphore(%run_scoped3A : memref<!tpu.dma_semaphore, #tpu.memory_space<semaphore_mem>>) src(%dma_wait3A_55 : memref<16x128xf32, #tpu.memory_space<hbm>>) dst(%dma_wait3A_52 : memref<16x128xf32, #tpu.memory_space<vmem_shared>>)
        tpu.yield
      }) : () -> ()
    } else {
    }
    %barrier3A = arith.constant 0 : index
    tpu.barrier barrier_id(%barrier3A)
    %get3A = arith.constant 0 : index
    %get3A_5 = tpu.vector_load %arg15[%get3A] {strides = array<i32>} : memref<128xf32, #tpu.memory_space<vmem>>, vector<16xf32>,
    %get3A_6 = arith.constant 16 : index
    %get3A_7 = tpu.vector_load %arg15[%get3A_6] {strides = array<i32>} : memref<128xf32, #tpu.memory_space<vmem>>, vector<16xf32>,
    %get3A_8 = arith.constant 32 : index
    %get3A_9 = tpu.vector_load %arg15[%get3A_8] {strides = array<i32>} : memref<128xf32, #tpu.memory_space<vmem>>, vector<16xf32>,
    %get3A_10 = arith.constant 48 : index
    %get3A_11 = tpu.vector_load %arg15[%get3A_10] {strides = array<i32>} : memref<128xf32, #tpu.memory_space<vmem>>, vector<16xf32>,
    %get3A_12 = arith.constant 64 : index
    %get3A_13 = tpu.vector_load %arg15[%get3A_12] {strides = array<i32>} : memref<128xf32, #tpu.memory_space<vmem>>, vector<16xf32>,
    %get3A_14 = arith.constant 80 : index
    %get3A_15 = tpu.vector_load %arg15[%get3A_14] {strides = array<i32>} : memref<128xf32, #tpu.memory_space<vmem>>, vector<16xf32>,
    %get3A_16 = arith.constant 96 : index
    %get3A_17 = tpu.vector_load %arg15[%get3A_16] {strides = array<i32>} : memref<128xf32, #tpu.memory_space<vmem>>, vector<16xf32>,
    %get3A_18 = arith.constant 112 : index
    %get3A_19 = tpu.vector_load %arg15[%get3A_18] {strides = array<i32>} : memref<128xf32, #tpu.memory_space<vmem>>, vector<16xf32>,
    %get3A_20 = arith.constant 0 : index
    %get3A_21 = tpu.vector_load %arg16[%get3A_20] {strides = array<i32>} : memref<128xf32, #tpu.memory_space<vmem>>, vector<16xf32>,
    %get3A_22 = arith.constant 16 : index
    %get3A_23 = tpu.vector_load %arg16[%get3A_22] {strides = array<i32>} : memref<128xf32, #tpu.memory_space<vmem>>, vector<16xf32>,
    %get3A_24 = arith.constant 32 : index
    %get3A_25 = tpu.vector_load %arg16[%get3A_24] {strides = array<i32>} : memref<128xf32, #tpu.memory_space<vmem>>, vector<16xf32>,
    %get3A_26 = arith.constant 48 : index
    %get3A_27 = tpu.vector_load %arg16[%get3A_26] {strides = array<i32>} : memref<128xf32, #tpu.memory_space<vmem>>, vector<16xf32>,
    %get3A_28 = arith.constant 64 : index
    %get3A_29 = tpu.vector_load %arg16[%get3A_28] {strides = array<i32>} : memref<128xf32, #tpu.memory_space<vmem>>, vector<16xf32>,
    %get3A_30 = arith.constant 80 : index
    %get3A_31 = tpu.vector_load %arg16[%get3A_30] {strides = array<i32>} : memref<128xf32, #tpu.memory_space<vmem>>, vector<16xf32>,
    %get3A_32 = arith.constant 96 : index
    %get3A_33 = tpu.vector_load %arg16[%get3A_32] {strides = array<i32>} : memref<128xf32, #tpu.memory_space<vmem>>, vector<16xf32>,
    %get3A_34 = arith.constant 112 : index
    %get3A_35 = tpu.vector_load %arg16[%get3A_34] {strides = array<i32>} : memref<128xf32, #tpu.memory_space<vmem>>, vector<16xf32>,
    %scan3A = arith.constant 0 : i32
    %scan3A_36 = arith.constant 125 : i32
    %scan3A_37 = arith.addi %scan3A, %scan3A_36 : i32
    %scan3A_38 = arith.constant 1 : i32
    scf.for %scan3A_46 = %scan3A to %scan3A_37 step %scan3A_38  : i32 {
      %mul3A_47 = arith.constant 10000 : i32
      %mul3A_48 = arith.muli %add3A, %mul3A_47 : i32
      %mul3A_49 = arith.constant 80 : i32
      %mul3A_50 = arith.muli %scan3A_46, %mul3A_49 : i32
      %add3A_51 = arith.addi %mul3A_48, %mul3A_50 : i32
      "tpu.region"() ({
        %run_scoped3A = tpu.sem_alloc : memref<!tpu.dma_semaphore, #tpu.memory_space<semaphore_mem>>
        %dma_start3A_58 = tpu.memref_slice %arg3[%add3A_51] : memref<320000xi32, #tpu.memory_space<hbm>> -> memref<80xi32, #tpu.memory_space<hbm>>
        %dma_start3A_59 = tpu.memref_slice %arg3[%add3A_51] : memref<320000xi32, #tpu.memory_space<hbm>> -> memref<80xi32, #tpu.memory_space<hbm>>
        tpu.enqueue_dma source(%dma_start3A_59 : memref<80xi32, #tpu.memory_space<hbm>>) target(%arg12 : memref<80xi32, #tpu.memory_space<vmem>>) target_semaphore(%run_scoped3A : memref<!tpu.dma_semaphore, #tpu.memory_space<semaphore_mem>>)
        %dma_wait3A_60 = tpu.memref_slice %arg3[%add3A_51] : memref<320000xi32, #tpu.memory_space<hbm>> -> memref<80xi32, #tpu.memory_space<hbm>>
        %dma_wait3A_61 = tpu.memref_slice %arg3[%add3A_51] : memref<320000xi32, #tpu.memory_space<hbm>> -> memref<80xi32, #tpu.memory_space<hbm>>
        tpu.wait_dma2 semaphore(%run_scoped3A : memref<!tpu.dma_semaphore, #tpu.memory_space<semaphore_mem>>) src(%dma_wait3A_61 : memref<80xi32, #tpu.memory_space<hbm>>) dst(%arg12 : memref<80xi32, #tpu.memory_space<vmem>>)
        tpu.yield
      }) : () -> ()
      "tpu.region"() ({
        %run_scoped3A = tpu.sem_alloc : memref<!tpu.dma_semaphore, #tpu.memory_space<semaphore_mem>>
        %dma_start3A_58 = tpu.memref_slice %arg4[%add3A_51] : memref<320000xi32, #tpu.memory_space<hbm>> -> memref<80xi32, #tpu.memory_space<hbm>>
        %dma_start3A_59 = tpu.memref_slice %arg4[%add3A_51] : memref<320000xi32, #tpu.memory_space<hbm>> -> memref<80xi32, #tpu.memory_space<hbm>>
        tpu.enqueue_dma source(%dma_start3A_59 : memref<80xi32, #tpu.memory_space<hbm>>) target(%arg13 : memref<80xi32, #tpu.memory_space<vmem>>) target_semaphore(%run_scoped3A : memref<!tpu.dma_semaphore, #tpu.memory_space<semaphore_mem>>)
        %dma_wait3A_60 = tpu.memref_slice %arg4[%add3A_51] : memref<320000xi32, #tpu.memory_space<hbm>> -> memref<80xi32, #tpu.memory_space<hbm>>
        %dma_wait3A_61 = tpu.memref_slice %arg4[%add3A_51] : memref<320000xi32, #tpu.memory_space<hbm>> -> memref<80xi32, #tpu.memory_space<hbm>>
        tpu.wait_dma2 semaphore(%run_scoped3A : memref<!tpu.dma_semaphore, #tpu.memory_space<semaphore_mem>>) src(%dma_wait3A_61 : memref<80xi32, #tpu.memory_space<hbm>>) dst(%arg13 : memref<80xi32, #tpu.memory_space<vmem>>)
        tpu.yield
      }) : () -> ()
      "tpu.region"() ({
        %run_scoped3A = tpu.sem_alloc : memref<!tpu.dma_semaphore, #tpu.memory_space<semaphore_mem>>
        %dma_start3A_58 = tpu.memref_slice %arg5[%add3A_51] : memref<320000xf32, #tpu.memory_space<hbm>> -> memref<80xf32, #tpu.memory_space<hbm>>
        %dma_start3A_59 = tpu.memref_slice %arg5[%add3A_51] : memref<320000xf32, #tpu.memory_space<hbm>> -> memref<80xf32, #tpu.memory_space<hbm>>
        tpu.enqueue_dma source(%dma_start3A_59 : memref<80xf32, #tpu.memory_space<hbm>>) target(%arg14 : memref<80xf32, #tpu.memory_space<vmem>>) target_semaphore(%run_scoped3A : memref<!tpu.dma_semaphore, #tpu.memory_space<semaphore_mem>>)
        %dma_wait3A_60 = tpu.memref_slice %arg5[%add3A_51] : memref<320000xf32, #tpu.memory_space<hbm>> -> memref<80xf32, #tpu.memory_space<hbm>>
        %dma_wait3A_61 = tpu.memref_slice %arg5[%add3A_51] : memref<320000xf32, #tpu.memory_space<hbm>> -> memref<80xf32, #tpu.memory_space<hbm>>
        tpu.wait_dma2 semaphore(%run_scoped3A : memref<!tpu.dma_semaphore, #tpu.memory_space<semaphore_mem>>) src(%dma_wait3A_61 : memref<80xf32, #tpu.memory_space<hbm>>) dst(%arg14 : memref<80xf32, #tpu.memory_space<vmem>>)
        tpu.yield
      }) : () -> ()
      %dma_start3A = arith.constant 0 : i32
      %dma_start3A_52 = arith.constant 0 : i32
      %dma_start3A_53 = tpu.memref_slice %arg2[%dma_start3A, %dma_start3A_52] : memref<10000x128xf32, #tpu.memory_space<hbm>> -> memref<10000x128xf32, #tpu.memory_space<hbm>>
      tpu.enqueue_indirect_dma source(%dma_start3A_53 : memref<10000x128xf32, #tpu.memory_space<hbm>>) target(%arg11 : memref<80x128xf32, #tpu.memory_space<vmem>>) offsets(%arg12 : memref<80xi32, #tpu.memory_space<vmem>>) semaphore(%arg17 : memref<!tpu.dma_semaphore, #tpu.memory_space<semaphore_mem>>)
      %dma_wait3A = arith.constant 0 : i32
      %dma_wait3A_54 = arith.constant 0 : i32
      %dma_wait3A_55 = tpu.memref_slice %arg2[%dma_wait3A, %dma_wait3A_54] : memref<10000x128xf32, #tpu.memory_space<hbm>> -> memref<10000x128xf32, #tpu.memory_space<hbm>>
      tpu.wait_indirect_dma semaphore(%arg17 : memref<!tpu.dma_semaphore, #tpu.memory_space<semaphore_mem>>) src(%dma_wait3A_55 : memref<10000x128xf32, #tpu.memory_space<hbm>>) dst(%arg11 : memref<80x128xf32, #tpu.memory_space<vmem>>)
      %parallel_loop3A = arith.constant 0 : i32
      %parallel_loop3A_56 = arith.constant 80 : i32
      %parallel_loop3A_57 = arith.constant 1 : i32
      scf.for %parallel_loop3A_58 = %parallel_loop3A to %parallel_loop3A_56 step %parallel_loop3A_57  : i32 {
        %parallel_loop3A_59 = vector.broadcast %parallel_loop3A_58 : i32 to vector<16xi32>
        %parallel_loop3A_60 = tpu.vector_load_idx %arg14[%parallel_loop3A_59] : memref<80xf32, #tpu.memory_space<vmem>>[vector<16xi32>], vector<16xf32>,
        %parallel_loop3A_61 = arith.index_cast %parallel_loop3A_58 : i32 to index
        %parallel_loop3A_62 = arith.constant 0 : index
        %parallel_loop3A_63 = tpu.vector_load %arg11[%parallel_loop3A_61, %parallel_loop3A_62] {strides = array<i32>} : memref<80x128xf32, #tpu.memory_space<vmem>>, vector<16xf32>,
        %parallel_loop3A_64 = arith.mulf %parallel_loop3A_60, %get3A_5 : vector<16xf32>
        %parallel_loop3A_65 = arith.addf %parallel_loop3A_63, %parallel_loop3A_64 : vector<16xf32>
        %parallel_loop3A_66 = arith.addf %parallel_loop3A_65, %get3A_21 : vector<16xf32>
        %parallel_loop3A_67 = arith.constant 0.000000e+00 : f32
        %parallel_loop3A_68 = vector.broadcast %parallel_loop3A_67 : f32 to vector<16xf32>
        %parallel_loop3A_69 = arith.maximumf %parallel_loop3A_66, %parallel_loop3A_68 : vector<16xf32>
        %parallel_loop3A_70 = arith.index_cast %parallel_loop3A_58 : i32 to index
        %parallel_loop3A_71 = arith.constant 0 : index
        %parallel_loop3A_72 = tpu.vector_load %arg11[%parallel_loop3A_70, %parallel_loop3A_71] {strides = array<i32>} : memref<80x128xf32, #tpu.memory_space<vmem>>, vector<16xf32>,
        tpu.vector_store %arg11[%parallel_loop3A_70, %parallel_loop3A_71], %parallel_loop3A_69 {strides = array<i32>} : memref<80x128xf32, #tpu.memory_space<vmem>>, vector<16xf32>,
        %parallel_loop3A_73 = arith.index_cast %parallel_loop3A_58 : i32 to index
        %parallel_loop3A_74 = arith.constant 16 : index
        %parallel_loop3A_75 = tpu.vector_load %arg11[%parallel_loop3A_73, %parallel_loop3A_74] {strides = array<i32>} : memref<80x128xf32, #tpu.memory_space<vmem>>, vector<16xf32>,
        %parallel_loop3A_76 = arith.mulf %parallel_loop3A_60, %get3A_7 : vector<16xf32>
        %parallel_loop3A_77 = arith.addf %parallel_loop3A_75, %parallel_loop3A_76 : vector<16xf32>
        %parallel_loop3A_78 = arith.addf %parallel_loop3A_77, %get3A_23 : vector<16xf32>
        %parallel_loop3A_79 = arith.constant 0.000000e+00 : f32
        %parallel_loop3A_80 = vector.broadcast %parallel_loop3A_79 : f32 to vector<16xf32>
        %parallel_loop3A_81 = arith.maximumf %parallel_loop3A_78, %parallel_loop3A_80 : vector<16xf32>
        %parallel_loop3A_82 = arith.index_cast %parallel_loop3A_58 : i32 to index
        %parallel_loop3A_83 = arith.constant 16 : index
        %parallel_loop3A_84 = tpu.vector_load %arg11[%parallel_loop3A_82, %parallel_loop3A_83] {strides = array<i32>} : memref<80x128xf32, #tpu.memory_space<vmem>>, vector<16xf32>,
        tpu.vector_store %arg11[%parallel_loop3A_82, %parallel_loop3A_83], %parallel_loop3A_81 {strides = array<i32>} : memref<80x128xf32, #tpu.memory_space<vmem>>, vector<16xf32>,
        %parallel_loop3A_85 = arith.index_cast %parallel_loop3A_58 : i32 to index
        %parallel_loop3A_86 = arith.constant 32 : index
        %parallel_loop3A_87 = tpu.vector_load %arg11[%parallel_loop3A_85, %parallel_loop3A_86] {strides = array<i32>} : memref<80x128xf32, #tpu.memory_space<vmem>>, vector<16xf32>,
        %parallel_loop3A_88 = arith.mulf %parallel_loop3A_60, %get3A_9 : vector<16xf32>
        %parallel_loop3A_89 = arith.addf %parallel_loop3A_87, %parallel_loop3A_88 : vector<16xf32>
        %parallel_loop3A_90 = arith.addf %parallel_loop3A_89, %get3A_25 : vector<16xf32>
        %parallel_loop3A_91 = arith.constant 0.000000e+00 : f32
        %parallel_loop3A_92 = vector.broadcast %parallel_loop3A_91 : f32 to vector<16xf32>
        %parallel_loop3A_93 = arith.maximumf %parallel_loop3A_90, %parallel_loop3A_92 : vector<16xf32>
        %parallel_loop3A_94 = arith.index_cast %parallel_loop3A_58 : i32 to index
        %parallel_loop3A_95 = arith.constant 32 : index
        %parallel_loop3A_96 = tpu.vector_load %arg11[%parallel_loop3A_94, %parallel_loop3A_95] {strides = array<i32>} : memref<80x128xf32, #tpu.memory_space<vmem>>, vector<16xf32>,
        tpu.vector_store %arg11[%parallel_loop3A_94, %parallel_loop3A_95], %parallel_loop3A_93 {strides = array<i32>} : memref<80x128xf32, #tpu.memory_space<vmem>>, vector<16xf32>,
        %parallel_loop3A_97 = arith.index_cast %parallel_loop3A_58 : i32 to index
        %parallel_loop3A_98 = arith.constant 48 : index
        %parallel_loop3A_99 = tpu.vector_load %arg11[%parallel_loop3A_97, %parallel_loop3A_98] {strides = array<i32>} : memref<80x128xf32, #tpu.memory_space<vmem>>, vector<16xf32>,
        %parallel_loop3A_100 = arith.mulf %parallel_loop3A_60, %get3A_11 : vector<16xf32>
        %parallel_loop3A_101 = arith.addf %parallel_loop3A_99, %parallel_loop3A_100 : vector<16xf32>
        %parallel_loop3A_102 = arith.addf %parallel_loop3A_101, %get3A_27 : vector<16xf32>
        %parallel_loop3A_103 = arith.constant 0.000000e+00 : f32
        %parallel_loop3A_104 = vector.broadcast %parallel_loop3A_103 : f32 to vector<16xf32>
        %parallel_loop3A_105 = arith.maximumf %parallel_loop3A_102, %parallel_loop3A_104 : vector<16xf32>
        %parallel_loop3A_106 = arith.index_cast %parallel_loop3A_58 : i32 to index
        %parallel_loop3A_107 = arith.constant 48 : index
        %parallel_loop3A_108 = tpu.vector_load %arg11[%parallel_loop3A_106, %parallel_loop3A_107] {strides = array<i32>} : memref<80x128xf32, #tpu.memory_space<vmem>>, vector<16xf32>,
        tpu.vector_store %arg11[%parallel_loop3A_106, %parallel_loop3A_107], %parallel_loop3A_105 {strides = array<i32>} : memref<80x128xf32, #tpu.memory_space<vmem>>, vector<16xf32>,
        %parallel_loop3A_109 = arith.index_cast %parallel_loop3A_58 : i32 to index
        %parallel_loop3A_110 = arith.constant 64 : index
        %parallel_loop3A_111 = tpu.vector_load %arg11[%parallel_loop3A_109, %parallel_loop3A_110] {strides = array<i32>} : memref<80x128xf32, #tpu.memory_space<vmem>>, vector<16xf32>,
        %parallel_loop3A_112 = arith.mulf %parallel_loop3A_60, %get3A_13 : vector<16xf32>
        %parallel_loop3A_113 = arith.addf %parallel_loop3A_111, %parallel_loop3A_112 : vector<16xf32>
        %parallel_loop3A_114 = arith.addf %parallel_loop3A_113, %get3A_29 : vector<16xf32>
        %parallel_loop3A_115 = arith.constant 0.000000e+00 : f32
        %parallel_loop3A_116 = vector.broadcast %parallel_loop3A_115 : f32 to vector<16xf32>
        %parallel_loop3A_117 = arith.maximumf %parallel_loop3A_114, %parallel_loop3A_116 : vector<16xf32>
        %parallel_loop3A_118 = arith.index_cast %parallel_loop3A_58 : i32 to index
        %parallel_loop3A_119 = arith.constant 64 : index
        %parallel_loop3A_120 = tpu.vector_load %arg11[%parallel_loop3A_118, %parallel_loop3A_119] {strides = array<i32>} : memref<80x128xf32, #tpu.memory_space<vmem>>, vector<16xf32>,
        tpu.vector_store %arg11[%parallel_loop3A_118, %parallel_loop3A_119], %parallel_loop3A_117 {strides = array<i32>} : memref<80x128xf32, #tpu.memory_space<vmem>>, vector<16xf32>,
        %parallel_loop3A_121 = arith.index_cast %parallel_loop3A_58 : i32 to index
        %parallel_loop3A_122 = arith.constant 80 : index
        %parallel_loop3A_123 = tpu.vector_load %arg11[%parallel_loop3A_121, %parallel_loop3A_122] {strides = array<i32>} : memref<80x128xf32, #tpu.memory_space<vmem>>, vector<16xf32>,
        %parallel_loop3A_124 = arith.mulf %parallel_loop3A_60, %get3A_15 : vector<16xf32>
        %parallel_loop3A_125 = arith.addf %parallel_loop3A_123, %parallel_loop3A_124 : vector<16xf32>
        %parallel_loop3A_126 = arith.addf %parallel_loop3A_125, %get3A_31 : vector<16xf32>
        %parallel_loop3A_127 = arith.constant 0.000000e+00 : f32
        %parallel_loop3A_128 = vector.broadcast %parallel_loop3A_127 : f32 to vector<16xf32>
        %parallel_loop3A_129 = arith.maximumf %parallel_loop3A_126, %parallel_loop3A_128 : vector<16xf32>
        %parallel_loop3A_130 = arith.index_cast %parallel_loop3A_58 : i32 to index
        %parallel_loop3A_131 = arith.constant 80 : index
        %parallel_loop3A_132 = tpu.vector_load %arg11[%parallel_loop3A_130, %parallel_loop3A_131] {strides = array<i32>} : memref<80x128xf32, #tpu.memory_space<vmem>>, vector<16xf32>,
        tpu.vector_store %arg11[%parallel_loop3A_130, %parallel_loop3A_131], %parallel_loop3A_129 {strides = array<i32>} : memref<80x128xf32, #tpu.memory_space<vmem>>, vector<16xf32>,
        %parallel_loop3A_133 = arith.index_cast %parallel_loop3A_58 : i32 to index
        %parallel_loop3A_134 = arith.constant 96 : index
        %parallel_loop3A_135 = tpu.vector_load %arg11[%parallel_loop3A_133, %parallel_loop3A_134] {strides = array<i32>} : memref<80x128xf32, #tpu.memory_space<vmem>>, vector<16xf32>,
        %parallel_loop3A_136 = arith.mulf %parallel_loop3A_60, %get3A_17 : vector<16xf32>
        %parallel_loop3A_137 = arith.addf %parallel_loop3A_135, %parallel_loop3A_136 : vector<16xf32>
        %parallel_loop3A_138 = arith.addf %parallel_loop3A_137, %get3A_33 : vector<16xf32>
        %parallel_loop3A_139 = arith.constant 0.000000e+00 : f32
        %parallel_loop3A_140 = vector.broadcast %parallel_loop3A_139 : f32 to vector<16xf32>
        %parallel_loop3A_141 = arith.maximumf %parallel_loop3A_138, %parallel_loop3A_140 : vector<16xf32>
        %parallel_loop3A_142 = arith.index_cast %parallel_loop3A_58 : i32 to index
        %parallel_loop3A_143 = arith.constant 96 : index
        %parallel_loop3A_144 = tpu.vector_load %arg11[%parallel_loop3A_142, %parallel_loop3A_143] {strides = array<i32>} : memref<80x128xf32, #tpu.memory_space<vmem>>, vector<16xf32>,
        tpu.vector_store %arg11[%parallel_loop3A_142, %parallel_loop3A_143], %parallel_loop3A_141 {strides = array<i32>} : memref<80x128xf32, #tpu.memory_space<vmem>>, vector<16xf32>,
        %parallel_loop3A_145 = arith.index_cast %parallel_loop3A_58 : i32 to index
        %parallel_loop3A_146 = arith.constant 112 : index
        %parallel_loop3A_147 = tpu.vector_load %arg11[%parallel_loop3A_145, %parallel_loop3A_146] {strides = array<i32>} : memref<80x128xf32, #tpu.memory_space<vmem>>, vector<16xf32>,
        %parallel_loop3A_148 = arith.mulf %parallel_loop3A_60, %get3A_19 : vector<16xf32>
        %parallel_loop3A_149 = arith.addf %parallel_loop3A_147, %parallel_loop3A_148 : vector<16xf32>
        %parallel_loop3A_150 = arith.addf %parallel_loop3A_149, %get3A_35 : vector<16xf32>
        %parallel_loop3A_151 = arith.constant 0.000000e+00 : f32
        %parallel_loop3A_152 = vector.broadcast %parallel_loop3A_151 : f32 to vector<16xf32>
        %parallel_loop3A_153 = arith.maximumf %parallel_loop3A_150, %parallel_loop3A_152 : vector<16xf32>
        %parallel_loop3A_154 = arith.index_cast %parallel_loop3A_58 : i32 to index
        %parallel_loop3A_155 = arith.constant 112 : index
        %parallel_loop3A_156 = tpu.vector_load %arg11[%parallel_loop3A_154, %parallel_loop3A_155] {strides = array<i32>} : memref<80x128xf32, #tpu.memory_space<vmem>>, vector<16xf32>,
        tpu.vector_store %arg11[%parallel_loop3A_154, %parallel_loop3A_155], %parallel_loop3A_153 {strides = array<i32>} : memref<80x128xf32, #tpu.memory_space<vmem>>, vector<16xf32>,
      } {sc.loop_unroll_factor = 4 : i64, sc.parallel_access}
      "tpu.region"() ({
        %run_scoped3A = tpu.sem_alloc : memref<!tpu.dma_semaphore, #tpu.memory_space<semaphore_mem>>
        %dma_start3A_58 = arith.constant 0 : i32
        %dma_start3A_59 = arith.constant 0 : i32
        %dma_start3A_60 = tpu.memref_slice %arg10[%dma_start3A_58, %dma_start3A_59] : memref<10000x128xf32, #tpu.memory_space<vmem_shared>> -> memref<10000x128xf32, #tpu.memory_space<vmem_shared>>
        tpu.enqueue_indirect_dma source(%arg11 : memref<80x128xf32, #tpu.memory_space<vmem>>) target(%dma_start3A_60 : memref<10000x128xf32, #tpu.memory_space<vmem_shared>>) offsets(%arg13 : memref<80xi32, #tpu.memory_space<vmem>>) semaphore(%run_scoped3A : memref<!tpu.dma_semaphore, #tpu.memory_space<semaphore_mem>>) {add = true}
        %dma_wait3A_61 = arith.constant 0 : i32
        %dma_wait3A_62 = arith.constant 0 : i32
        %dma_wait3A_63 = tpu.memref_slice %arg10[%dma_wait3A_61, %dma_wait3A_62] : memref<10000x128xf32, #tpu.memory_space<vmem_shared>> -> memref<10000x128xf32, #tpu.memory_space<vmem_shared>>
        tpu.wait_indirect_dma semaphore(%run_scoped3A : memref<!tpu.dma_semaphore, #tpu.memory_space<semaphore_mem>>) src(%arg11 : memref<80x128xf32, #tpu.memory_space<vmem>>) dst(%dma_wait3A_63 : memref<10000x128xf32, #tpu.memory_space<vmem_shared>>)
        tpu.yield
      }) : () -> ()
    }
    %scan3A_39 = arith.constant 125 : i32
    %barrier3A_40 = arith.constant 0 : index
    tpu.barrier barrier_id(%barrier3A_40)
    "tpu.region"() ({
      %run_scoped3A = tpu.sem_alloc : memref<!tpu.dma_semaphore, #tpu.memory_space<semaphore_mem>>
      %dma_start3A = arith.constant 0 : i32
      %dma_start3A_46 = tpu.memref_slice %arg9[%arg0, %mul3A_2, %dma_start3A] : memref<2x10000x128xf32, #tpu.memory_space<hbm>> -> memref<1x624x128xf32, #tpu.memory_space<hbm>>
      %dma_start3A_47 = tpu.memref_squeeze %dma_start3A_46 : memref<1x624x128xf32, #tpu.memory_space<hbm>> -> memref<624x128xf32, #tpu.memory_space<hbm>>
      %dma_start3A_48 = arith.constant 0 : i32
      %dma_start3A_49 = tpu.memref_slice %arg10[%mul3A_2, %dma_start3A_48] : memref<10000x128xf32, #tpu.memory_space<vmem_shared>> -> memref<624x128xf32, #tpu.memory_space<vmem_shared>>
      tpu.enqueue_dma source(%dma_start3A_49 : memref<624x128xf32, #tpu.memory_space<vmem_shared>>) target(%dma_start3A_47 : memref<624x128xf32, #tpu.memory_space<hbm>>) target_semaphore(%run_scoped3A : memref<!tpu.dma_semaphore, #tpu.memory_space<semaphore_mem>>)
      %dma_wait3A = arith.constant 0 : i32
      %dma_wait3A_50 = tpu.memref_slice %arg9[%arg0, %mul3A_2, %dma_wait3A] : memref<2x10000x128xf32, #tpu.memory_space<hbm>> -> memref<1x624x128xf32, #tpu.memory_space<hbm>>
      %dma_wait3A_51 = tpu.memref_squeeze %dma_wait3A_50 : memref<1x624x128xf32, #tpu.memory_space<hbm>> -> memref<624x128xf32, #tpu.memory_space<hbm>>
      %dma_wait3A_52 = arith.constant 0 : i32
      %dma_wait3A_53 = tpu.memref_slice %arg10[%mul3A_2, %dma_wait3A_52] : memref<10000x128xf32, #tpu.memory_space<vmem_shared>> -> memref<624x128xf32, #tpu.memory_space<vmem_shared>>
      tpu.wait_dma2 semaphore(%run_scoped3A : memref<!tpu.dma_semaphore, #tpu.memory_space<semaphore_mem>>) src(%dma_wait3A_53 : memref<624x128xf32, #tpu.memory_space<vmem_shared>>) dst(%dma_wait3A_51 : memref<624x128xf32, #tpu.memory_space<hbm>>)
      tpu.yield
    }) : () -> ()
    %eq3A_41 = arith.constant 15 : i32
    %eq3A_42 = arith.cmpi eq, %arg1, %eq3A_41 : i32
    %convert_element_type3A_43 = arith.extui %eq3A_42 : i1 to i32
    %cond3A_44 = arith.constant 0 : i32
    %cond3A_45 = arith.cmpi ne, %convert_element_type3A_43, %cond3A_44 : i32
    scf.if %cond3A_45 {
      "tpu.region"() ({
        %run_scoped3A = tpu.sem_alloc : memref<!tpu.dma_semaphore, #tpu.memory_space<semaphore_mem>>
        %dma_start3A = arith.constant 9984 : i32
        %dma_start3A_46 = arith.constant 0 : i32
        %dma_start3A_47 = tpu.memref_slice %arg9[%arg0, %dma_start3A, %dma_start3A_46] : memref<2x10000x128xf32, #tpu.memory_space<hbm>> -> memref<1x16x128xf32, #tpu.memory_space<hbm>>
        %dma_start3A_48 = tpu.memref_squeeze %dma_start3A_47 : memref<1x16x128xf32, #tpu.memory_space<hbm>> -> memref<16x128xf32, #tpu.memory_space<hbm>>
        %dma_start3A_49 = arith.constant 9984 : i32
        %dma_start3A_50 = arith.constant 0 : i32
        %dma_start3A_51 = tpu.memref_slice %arg10[%dma_start3A_49, %dma_start3A_50] : memref<10000x128xf32, #tpu.memory_space<vmem_shared>> -> memref<16x128xf32, #tpu.memory_space<vmem_shared>>
        tpu.enqueue_dma source(%dma_start3A_51 : memref<16x128xf32, #tpu.memory_space<vmem_shared>>) target(%dma_start3A_48 : memref<16x128xf32, #tpu.memory_space<hbm>>) target_semaphore(%run_scoped3A : memref<!tpu.dma_semaphore, #tpu.memory_space<semaphore_mem>>)
        %dma_wait3A = arith.constant 9984 : i32
        %dma_wait3A_52 = arith.constant 0 : i32
        %dma_wait3A_53 = tpu.memref_slice %arg9[%arg0, %dma_wait3A, %dma_wait3A_52] : memref<2x10000x128xf32, #tpu.memory_space<hbm>> -> memref<1x16x128xf32, #tpu.memory_space<hbm>>
        %dma_wait3A_54 = tpu.memref_squeeze %dma_wait3A_53 : memref<1x16x128xf32, #tpu.memory_space<hbm>> -> memref<16x128xf32, #tpu.memory_space<hbm>>
        %dma_wait3A_55 = arith.constant 9984 : i32
        %dma_wait3A_56 = arith.constant 0 : i32
        %dma_wait3A_57 = tpu.memref_slice %arg10[%dma_wait3A_55, %dma_wait3A_56] : memref<10000x128xf32, #tpu.memory_space<vmem_shared>> -> memref<16x128xf32, #tpu.memory_space<vmem_shared>>
        tpu.wait_dma2 semaphore(%run_scoped3A : memref<!tpu.dma_semaphore, #tpu.memory_space<semaphore_mem>>) src(%dma_wait3A_57 : memref<16x128xf32, #tpu.memory_space<vmem_shared>>) dst(%dma_wait3A_54 : memref<16x128xf32, #tpu.memory_space<hbm>>)
        tpu.yield
      }) : () -> ()
    } else {
    }
    return
  }
}

#map = affine_map<(d0, d1) -> (0)>
module attributes {stable_mosaic.version = 14 : i64} {
  func.func @_k5(%arg0: i32, %arg1: i32, %arg2: memref<10000xf32, #tpu.memory_space<hbm>>, %arg3: memref<10000xf32, #tpu.memory_space<hbm>>, %arg4: memref<320000xi32, #tpu.memory_space<hbm>>, %arg5: memref<320000xi32, #tpu.memory_space<hbm>>, %arg6: memref<320000xf32, #tpu.memory_space<hbm>>, %arg7: memref<10000xf32, #tpu.memory_space<vmem>>, %arg8: memref<10000xf32, #tpu.memory_space<vmem>>, %arg9: memref<80xi32, #tpu.memory_space<vmem>>, %arg10: memref<80xi32, #tpu.memory_space<vmem>>, %arg11: memref<80xf32, #tpu.memory_space<vmem>>) attributes {dimension_semantics = [#tpu.dimension_semantics<core_parallel>, #tpu.dimension_semantics<subcore_parallel>], iteration_bounds = array<i64: 2, 16>, scalar_prefetch = 0 : i64, scratch_operands = 5 : i64, tpu.core_type = #tpu.core_type<sc_vector_subcore>, window_params = [{transform_indices = #map}, {transform_indices = #map}, {transform_indices = #map}, {transform_indices = #map}, {transform_indices = #map}]} {
    %mul3A = arith.constant 2 : i32
    %mul3A_0 = arith.muli %arg1, %mul3A : i32
    %add3A = arith.addi %mul3A_0, %arg0 : i32
    "tpu.region"() ({
      %run_scoped3A = tpu.sem_alloc : memref<!tpu.dma_semaphore, #tpu.memory_space<semaphore_mem>>
      tpu.enqueue_dma source(%arg2 : memref<10000xf32, #tpu.memory_space<hbm>>) target(%arg7 : memref<10000xf32, #tpu.memory_space<vmem>>) target_semaphore(%run_scoped3A : memref<!tpu.dma_semaphore, #tpu.memory_space<semaphore_mem>>)
      tpu.wait_dma2 semaphore(%run_scoped3A : memref<!tpu.dma_semaphore, #tpu.memory_space<semaphore_mem>>) src(%arg2 : memref<10000xf32, #tpu.memory_space<hbm>>) dst(%arg7 : memref<10000xf32, #tpu.memory_space<vmem>>)
      tpu.yield
    }) : () -> ()
    "tpu.region"() ({
      %run_scoped3A = tpu.sem_alloc : memref<!tpu.dma_semaphore, #tpu.memory_space<semaphore_mem>>
      tpu.enqueue_dma source(%arg3 : memref<10000xf32, #tpu.memory_space<hbm>>) target(%arg8 : memref<10000xf32, #tpu.memory_space<vmem>>) target_semaphore(%run_scoped3A : memref<!tpu.dma_semaphore, #tpu.memory_space<semaphore_mem>>)
      tpu.wait_dma2 semaphore(%run_scoped3A : memref<!tpu.dma_semaphore, #tpu.memory_space<semaphore_mem>>) src(%arg3 : memref<10000xf32, #tpu.memory_space<hbm>>) dst(%arg8 : memref<10000xf32, #tpu.memory_space<vmem>>)
      tpu.yield
    }) : () -> ()
    %scan3A = arith.constant 0 : i32
    %scan3A_1 = arith.constant 125 : i32
    %scan3A_2 = arith.addi %scan3A, %scan3A_1 : i32
    %scan3A_3 = arith.constant 1 : i32
    scf.for %scan3A_5 = %scan3A to %scan3A_2 step %scan3A_3  : i32 {
      %mul3A_6 = arith.constant 10000 : i32
      %mul3A_7 = arith.muli %add3A, %mul3A_6 : i32
      %mul3A_8 = arith.constant 80 : i32
      %mul3A_9 = arith.muli %scan3A_5, %mul3A_8 : i32
      %add3A_10 = arith.addi %mul3A_7, %mul3A_9 : i32
      "tpu.region"() ({
        %run_scoped3A = tpu.sem_alloc : memref<!tpu.dma_semaphore, #tpu.memory_space<semaphore_mem>>
        %dma_start3A = tpu.memref_slice %arg4[%add3A_10] : memref<320000xi32, #tpu.memory_space<hbm>> -> memref<80xi32, #tpu.memory_space<hbm>>
        %dma_start3A_13 = tpu.memref_slice %arg4[%add3A_10] : memref<320000xi32, #tpu.memory_space<hbm>> -> memref<80xi32, #tpu.memory_space<hbm>>
        tpu.enqueue_dma source(%dma_start3A_13 : memref<80xi32, #tpu.memory_space<hbm>>) target(%arg9 : memref<80xi32, #tpu.memory_space<vmem>>) target_semaphore(%run_scoped3A : memref<!tpu.dma_semaphore, #tpu.memory_space<semaphore_mem>>)
        %dma_wait3A = tpu.memref_slice %arg4[%add3A_10] : memref<320000xi32, #tpu.memory_space<hbm>> -> memref<80xi32, #tpu.memory_space<hbm>>
        %dma_wait3A_14 = tpu.memref_slice %arg4[%add3A_10] : memref<320000xi32, #tpu.memory_space<hbm>> -> memref<80xi32, #tpu.memory_space<hbm>>
        tpu.wait_dma2 semaphore(%run_scoped3A : memref<!tpu.dma_semaphore, #tpu.memory_space<semaphore_mem>>) src(%dma_wait3A_14 : memref<80xi32, #tpu.memory_space<hbm>>) dst(%arg9 : memref<80xi32, #tpu.memory_space<vmem>>)
        tpu.yield
      }) : () -> ()
      "tpu.region"() ({
        %run_scoped3A = tpu.sem_alloc : memref<!tpu.dma_semaphore, #tpu.memory_space<semaphore_mem>>
        %dma_start3A = tpu.memref_slice %arg5[%add3A_10] : memref<320000xi32, #tpu.memory_space<hbm>> -> memref<80xi32, #tpu.memory_space<hbm>>
        %dma_start3A_13 = tpu.memref_slice %arg5[%add3A_10] : memref<320000xi32, #tpu.memory_space<hbm>> -> memref<80xi32, #tpu.memory_space<hbm>>
        tpu.enqueue_dma source(%dma_start3A_13 : memref<80xi32, #tpu.memory_space<hbm>>) target(%arg10 : memref<80xi32, #tpu.memory_space<vmem>>) target_semaphore(%run_scoped3A : memref<!tpu.dma_semaphore, #tpu.memory_space<semaphore_mem>>)
        %dma_wait3A = tpu.memref_slice %arg5[%add3A_10] : memref<320000xi32, #tpu.memory_space<hbm>> -> memref<80xi32, #tpu.memory_space<hbm>>
        %dma_wait3A_14 = tpu.memref_slice %arg5[%add3A_10] : memref<320000xi32, #tpu.memory_space<hbm>> -> memref<80xi32, #tpu.memory_space<hbm>>
        tpu.wait_dma2 semaphore(%run_scoped3A : memref<!tpu.dma_semaphore, #tpu.memory_space<semaphore_mem>>) src(%dma_wait3A_14 : memref<80xi32, #tpu.memory_space<hbm>>) dst(%arg10 : memref<80xi32, #tpu.memory_space<vmem>>)
        tpu.yield
      }) : () -> ()
      %parallel_loop3A = arith.constant 0 : i32
      %parallel_loop3A_11 = arith.constant 5 : i32
      %parallel_loop3A_12 = arith.constant 1 : i32
      scf.for %parallel_loop3A_13 = %parallel_loop3A to %parallel_loop3A_11 step %parallel_loop3A_12  : i32 {
        %parallel_loop3A_14 = arith.constant 16 : i32
        %parallel_loop3A_15 = arith.muli %parallel_loop3A_13, %parallel_loop3A_14 : i32
        %parallel_loop3A_16 = arith.index_cast %parallel_loop3A_15 : i32 to index
        %parallel_loop3A_17 = tpu.vector_load %arg9[%parallel_loop3A_16] {strides = array<i32>} : memref<80xi32, #tpu.memory_space<vmem>>, vector<16xi32>,
        %parallel_loop3A_18 = arith.constant 16 : i32
        %parallel_loop3A_19 = arith.muli %parallel_loop3A_13, %parallel_loop3A_18 : i32
        %parallel_loop3A_20 = arith.index_cast %parallel_loop3A_19 : i32 to index
        %parallel_loop3A_21 = tpu.vector_load %arg10[%parallel_loop3A_20] {strides = array<i32>} : memref<80xi32, #tpu.memory_space<vmem>>, vector<16xi32>,
        %parallel_loop3A_22 = tpu.vector_load_idx %arg7[%parallel_loop3A_17] : memref<10000xf32, #tpu.memory_space<vmem>>[vector<16xi32>], vector<16xf32>,
        %parallel_loop3A_23 = tpu.vector_load_idx %arg8[%parallel_loop3A_21] : memref<10000xf32, #tpu.memory_space<vmem>>[vector<16xi32>], vector<16xf32>,
        %parallel_loop3A_24 = arith.addf %parallel_loop3A_22, %parallel_loop3A_23 : vector<16xf32>
        %parallel_loop3A_25 = arith.constant 16 : i32
        %parallel_loop3A_26 = arith.muli %parallel_loop3A_13, %parallel_loop3A_25 : i32
        %parallel_loop3A_27 = arith.index_cast %parallel_loop3A_26 : i32 to index
        %parallel_loop3A_28 = tpu.vector_load %arg11[%parallel_loop3A_27] {strides = array<i32>} : memref<80xf32, #tpu.memory_space<vmem>>, vector<16xf32>,
        tpu.vector_store %arg11[%parallel_loop3A_27], %parallel_loop3A_24 {strides = array<i32>} : memref<80xf32, #tpu.memory_space<vmem>>, vector<16xf32>,
      } {sc.loop_unroll_factor = 5 : i64, sc.parallel_access}
      "tpu.region"() ({
        %run_scoped3A = tpu.sem_alloc : memref<!tpu.dma_semaphore, #tpu.memory_space<semaphore_mem>>
        %dma_start3A = tpu.memref_slice %arg6[%add3A_10] : memref<320000xf32, #tpu.memory_space<hbm>> -> memref<80xf32, #tpu.memory_space<hbm>>
        %dma_start3A_13 = tpu.memref_slice %arg6[%add3A_10] : memref<320000xf32, #tpu.memory_space<hbm>> -> memref<80xf32, #tpu.memory_space<hbm>>
        tpu.enqueue_dma source(%arg11 : memref<80xf32, #tpu.memory_space<vmem>>) target(%dma_start3A_13 : memref<80xf32, #tpu.memory_space<hbm>>) target_semaphore(%run_scoped3A : memref<!tpu.dma_semaphore, #tpu.memory_space<semaphore_mem>>)
        %dma_wait3A = tpu.memref_slice %arg6[%add3A_10] : memref<320000xf32, #tpu.memory_space<hbm>> -> memref<80xf32, #tpu.memory_space<hbm>>
        %dma_wait3A_14 = tpu.memref_slice %arg6[%add3A_10] : memref<320000xf32, #tpu.memory_space<hbm>> -> memref<80xf32, #tpu.memory_space<hbm>>
        tpu.wait_dma2 semaphore(%run_scoped3A : memref<!tpu.dma_semaphore, #tpu.memory_space<semaphore_mem>>) src(%arg11 : memref<80xf32, #tpu.memory_space<vmem>>) dst(%dma_wait3A_14 : memref<80xf32, #tpu.memory_space<hbm>>)
        tpu.yield
      }) : () -> ()
    }
    %scan3A_4 = arith.constant 125 : i32
    return
  }
}

module attributes {stable_mosaic.version = 14 : i64} {
  func.func @_k0_body(%arg0: memref<1x128xf32, #tpu.memory_space<vmem>>, %arg1: memref<1x128xf32, #tpu.memory_space<vmem>>, %arg2: memref<1x128xf32, #tpu.memory_space<vmem>>, %arg3: memref<1x1xf32, #tpu.memory_space<vmem>>, %arg4: memref<1x128xf32, #tpu.memory_space<vmem>>, %arg5: memref<1x128xf32, #tpu.memory_space<vmem>>, %arg6: memref<512x128xf32, #tpu.memory_space<vmem>>, %arg7: memref<1x512xf32, #tpu.memory_space<vmem>>, %arg8: memref<1x512xf32, #tpu.memory_space<vmem>>, %arg9: memref<1x2xf32, #tpu.memory_space<vmem>>, %arg10: memref<2x512xf32, #tpu.memory_space<vmem>>) attributes {dimension_semantics = [], scalar_prefetch = 0 : i64, scratch_operands = 0 : i64, tpu.core_type = #tpu.core_type<tc>} {
    %get3A = arith.constant 0 : index
    %get3A_0 = arith.constant 0 : index
    %get3A_1 = vector.load %arg0[%get3A, %get3A_0] : memref<1x128xf32, #tpu.memory_space<vmem>>, vector<1x128xf32>
    %get3A_2 = arith.constant 0 : index
    %get3A_3 = arith.constant 0 : index
    %get3A_4 = vector.load %arg1[%get3A_2, %get3A_3] : memref<1x128xf32, #tpu.memory_space<vmem>>, vector<1x128xf32>
    %mul3A = arith.mulf %get3A_1, %get3A_4 : vector<1x128xf32>
    %reduce_sum3A = vector.shape_cast %mul3A : vector<1x128xf32> to vector<1x1x128xf32>
    %reduce_sum3A_5 = arith.constant dense<0.000000e+00> : vector<1xf32>
    %reduce_sum3A_6 = vector.multi_reduction <add>, %reduce_sum3A, %reduce_sum3A_5 [1, 2] : vector<1x1x128xf32> to vector<1xf32>
    %reduce_sum3A_7 = vector.shape_cast %reduce_sum3A_6 : vector<1xf32> to vector<1x1x1xf32>
    %reduce_sum3A_8 = vector.extract %reduce_sum3A_7[0, 0, 0] : f32 from vector<1x1x1xf32>
    %broadcast_in_dim3A = vector.broadcast %reduce_sum3A_8 : f32 to vector<1x1xf32>
    %get3A_9 = arith.constant 0 : index
    %get3A_10 = arith.constant 0 : index
    %get3A_11 = vector.load %arg2[%get3A_9, %get3A_10] : memref<1x128xf32, #tpu.memory_space<vmem>>, vector<1x128xf32>
    %mul3A_12 = arith.mulf %get3A_1, %get3A_11 : vector<1x128xf32>
    %reduce_sum3A_13 = vector.shape_cast %mul3A_12 : vector<1x128xf32> to vector<1x1x128xf32>
    %reduce_sum3A_14 = arith.constant dense<0.000000e+00> : vector<1xf32>
    %reduce_sum3A_15 = vector.multi_reduction <add>, %reduce_sum3A_13, %reduce_sum3A_14 [1, 2] : vector<1x1x128xf32> to vector<1xf32>
    %reduce_sum3A_16 = vector.shape_cast %reduce_sum3A_15 : vector<1xf32> to vector<1x1x1xf32>
    %reduce_sum3A_17 = vector.extract %reduce_sum3A_16[0, 0, 0] : f32 from vector<1x1x1xf32>
    %broadcast_in_dim3A_18 = vector.broadcast %reduce_sum3A_17 : f32 to vector<1x1xf32>
    %get3A_19 = arith.constant 0 : index
    %get3A_20 = arith.constant 0 : index
    %get3A_21 = vector.load %arg3[%get3A_19, %get3A_20] : memref<1x1xf32, #tpu.memory_space<vmem>>, vector<1x1xf32>
    %add3A = arith.addf %broadcast_in_dim3A_18, %get3A_21 : vector<1x1xf32>
    %concatenate3A = tpu.concatenate %broadcast_in_dim3A, %add3A in 1 : vector<1x1xf32>, vector<1x1xf32> -> vector<1x2xf32>
    %swap3A = arith.constant 0 : index
    %swap3A_22 = arith.constant 0 : index
    %swap3A_23 = vector.load %arg9[%swap3A, %swap3A_22] : memref<1x2xf32, #tpu.memory_space<vmem>>, vector<1x2xf32>
    tpu.vector_store %arg9[%swap3A, %swap3A_22], %concatenate3A {strides = array<i32>} : memref<1x2xf32, #tpu.memory_space<vmem>>, vector<1x2xf32>,
    %get3A_24 = arith.constant 0 : index
    %get3A_25 = arith.constant 0 : index
    %get3A_26 = vector.load %arg6[%get3A_24, %get3A_25] : memref<512x128xf32, #tpu.memory_space<vmem>>, vector<512x128xf32>
    %get3A_27 = arith.constant 0 : index
    %get3A_28 = arith.constant 0 : index
    %get3A_29 = vector.load %arg4[%get3A_27, %get3A_28] : memref<1x128xf32, #tpu.memory_space<vmem>>, vector<1x128xf32>
    %dot_general3A = arith.constant dense<0.000000e+00> : vector<1x512xf32>
    %dot_general3A_30 = tpu.matmul %get3A_29, %get3A_26, %dot_general3A {dimension_numbers = #tpu.dot_dimension_numbers<[1], [1], [0], [0], [0, 0, 1, 0], [], []>, precision = #tpu.contract_precision<fp32>, transpose_lhs_hint = false} : vector<1x128xf32>, vector<512x128xf32>, vector<1x512xf32> -> vector<1x512xf32>
    %get3A_31 = arith.constant 0 : index
    %get3A_32 = arith.constant 0 : index
    %get3A_33 = vector.load %arg5[%get3A_31, %get3A_32] : memref<1x128xf32, #tpu.memory_space<vmem>>, vector<1x128xf32>
    %dot_general3A_34 = arith.constant dense<0.000000e+00> : vector<1x512xf32>
    %dot_general3A_35 = tpu.matmul %get3A_33, %get3A_26, %dot_general3A_34 {dimension_numbers = #tpu.dot_dimension_numbers<[1], [1], [0], [0], [0, 0, 1, 0], [], []>, precision = #tpu.contract_precision<fp32>, transpose_lhs_hint = false} : vector<1x128xf32>, vector<512x128xf32>, vector<1x512xf32> -> vector<1x512xf32>
    %get3A_36 = arith.constant 0 : index
    %get3A_37 = arith.constant 0 : index
    %get3A_38 = vector.load %arg7[%get3A_36, %get3A_37] : memref<1x512xf32, #tpu.memory_space<vmem>>, vector<1x512xf32>
    %add3A_39 = arith.addf %dot_general3A_35, %get3A_38 : vector<1x512xf32>
    %get3A_40 = arith.constant 0 : index
    %get3A_41 = arith.constant 0 : index
    %get3A_42 = vector.load %arg8[%get3A_40, %get3A_41] : memref<1x512xf32, #tpu.memory_space<vmem>>, vector<1x512xf32>
    %add3A_43 = arith.addf %add3A_39, %get3A_42 : vector<1x512xf32>
    %concatenate3A_44 = tpu.concatenate %dot_general3A_30, %add3A_43 in 0 : vector<1x512xf32>, vector<1x512xf32> -> vector<2x512xf32>
    %swap3A_45 = arith.constant 0 : index
    %swap3A_46 = arith.constant 0 : index
    %swap3A_47 = vector.load %arg10[%swap3A_45, %swap3A_46] : memref<2x512xf32, #tpu.memory_space<vmem>>, vector<2x512xf32>
    tpu.vector_store %arg10[%swap3A_45, %swap3A_46], %concatenate3A_44 {strides = array<i32>} : memref<2x512xf32, #tpu.memory_space<vmem>>, vector<2x512xf32>,
    return
  }
}

module attributes {stable_mosaic.version = 14 : i64} {
  func.func @_k2a_body(%arg0: memref<1x10000xf32, #tpu.memory_space<vmem>>, %arg1: memref<32x10000xf32, #tpu.memory_space<vmem>>, %arg2: memref<1x10000xf32, #tpu.memory_space<vmem>>) attributes {dimension_semantics = [], scalar_prefetch = 0 : i64, scratch_operands = 0 : i64, tpu.core_type = #tpu.core_type<tc>} {
    %get3A = arith.constant 0 : index
    %get3A_0 = arith.constant 0 : index
    %get3A_1 = vector.load %arg0[%get3A, %get3A_0] : memref<1x10000xf32, #tpu.memory_space<vmem>>, vector<1x10000xf32>
    %get3A_2 = arith.constant 0 : index
    %get3A_3 = arith.constant 0 : index
    %get3A_4 = vector.load %arg1[%get3A_2, %get3A_3] : memref<32x10000xf32, #tpu.memory_space<vmem>>, vector<32x10000xf32>
    %reduce_sum3A = arith.constant dense<0.000000e+00> : vector<10000xf32>
    %reduce_sum3A_5 = vector.multi_reduction <add>, %get3A_4, %reduce_sum3A [0] : vector<32x10000xf32> to vector<10000xf32>
    %broadcast_in_dim3A = vector.shape_cast %reduce_sum3A_5 : vector<10000xf32> to vector<1x10000xf32>
    %add3A = arith.addf %get3A_1, %broadcast_in_dim3A : vector<1x10000xf32>
    %swap3A = arith.constant 0 : index
    %swap3A_6 = arith.constant 0 : index
    %swap3A_7 = vector.load %arg2[%swap3A, %swap3A_6] : memref<1x10000xf32, #tpu.memory_space<vmem>>, vector<1x10000xf32>
    tpu.vector_store %arg2[%swap3A, %swap3A_6], %add3A {strides = array<i32>} : memref<1x10000xf32, #tpu.memory_space<vmem>>, vector<1x10000xf32>,
    return
  }
}

module attributes {stable_mosaic.version = 14 : i64} {
  func.func @_k2b_body(%arg0: i32, %arg1: memref<1000x1xf32, #tpu.memory_space<vmem>>, %arg2: memref<2x512xf32, #tpu.memory_space<vmem>>, %arg3: memref<1000x128xf32, #tpu.memory_space<vmem>>, %arg4: memref<1000x128xf32, #tpu.memory_space<vmem>>) attributes {dimension_semantics = [#tpu.dimension_semantics<arbitrary>], iteration_bounds = array<i64: 10>, scalar_prefetch = 0 : i64, scratch_operands = 0 : i64, tpu.core_type = #tpu.core_type<tc>, window_params = [{transform_indices = @transform_0, window_bounds = array<i64: 1000, 1>}, {pipeline_mode = #tpu.pipeline_mode<synchronous>, transform_indices = @transform_1, window_bounds = array<i64: 2, 512>}, {transform_indices = @transform_2, window_bounds = array<i64: 1000, 128>}, {transform_indices = @transform_3, window_bounds = array<i64: 1000, 128>}]} {
    %get3A = arith.constant 0 : index
    %get3A_0 = arith.constant 0 : index
    %get3A_1 = vector.load %arg1[%get3A, %get3A_0] : memref<1000x1xf32, #tpu.memory_space<vmem>>, vector<1000x1xf32>
    %get3A_2 = arith.constant 0 : index
    %get3A_3 = arith.constant 0 : index
    %get3A_4 = vector.load %arg2[%get3A_2, %get3A_3] : memref<2x512xf32, #tpu.memory_space<vmem>>, vector<1x512xf32>
    %get3A_5 = arith.constant 1 : index
    %get3A_6 = arith.constant 0 : index
    %get3A_7 = vector.load %arg2[%get3A_5, %get3A_6] : memref<2x512xf32, #tpu.memory_space<vmem>>, vector<1x512xf32>
    %slice3A = vector.extract_strided_slice %get3A_4 {offsets = [0, 0], sizes = [1, 128], strides = [1, 1]} : vector<1x512xf32> to vector<1x128xf32>
    %mul3A = vector.broadcast %get3A_1 : vector<1000x1xf32> to vector<1000x128xf32>
    %mul3A_8 = vector.broadcast %slice3A : vector<1x128xf32> to vector<1000x128xf32>
    %mul3A_9 = arith.mulf %mul3A, %mul3A_8 : vector<1000x128xf32>
    %slice3A_10 = vector.extract_strided_slice %get3A_7 {offsets = [0, 0], sizes = [1, 128], strides = [1, 1]} : vector<1x512xf32> to vector<1x128xf32>
    %add3A = vector.broadcast %slice3A_10 : vector<1x128xf32> to vector<1000x128xf32>
    %add3A_11 = arith.addf %mul3A_9, %add3A : vector<1000x128xf32>
    %mul3A_12 = arith.constant 5.000000e-01 : f32
    %mul3A_13 = vector.broadcast %mul3A_12 : f32 to vector<1000x128xf32>
    %mul3A_14 = arith.mulf %mul3A_13, %add3A_11 : vector<1000x128xf32>
    %jit3A = arith.constant -7.90531111 : f32
    %jit3A_15 = arith.constant 7.90531111 : f32
    %max3A = vector.broadcast %jit3A : f32 to vector<1000x128xf32>
    %max3A_16 = arith.maximumf %max3A, %mul3A_14 : vector<1000x128xf32>
    %min3A = vector.broadcast %jit3A_15 : f32 to vector<1000x128xf32>
    %min3A_17 = arith.minimumf %min3A, %max3A_16 : vector<1000x128xf32>
    %mul3A_18 = arith.mulf %min3A_17, %min3A_17 : vector<1000x128xf32>
    %mul3A_19 = arith.constant -2.76076837E-16 : f32
    %mul3A_20 = vector.broadcast %mul3A_19 : f32 to vector<1000x128xf32>
    %mul3A_21 = arith.mulf %mul3A_20, %mul3A_18 : vector<1000x128xf32>
    %add3A_22 = arith.constant 2.00018794E-13 : f32
    %add3A_23 = vector.broadcast %add3A_22 : f32 to vector<1000x128xf32>
    %add3A_24 = arith.addf %mul3A_21, %add3A_23 : vector<1000x128xf32>
    %mul3A_25 = arith.mulf %add3A_24, %mul3A_18 : vector<1000x128xf32>
    %add3A_26 = arith.constant -8.60467184E-11 : f32
    %add3A_27 = vector.broadcast %add3A_26 : f32 to vector<1000x128xf32>
    %add3A_28 = arith.addf %mul3A_25, %add3A_27 : vector<1000x128xf32>
    %mul3A_29 = arith.mulf %add3A_28, %mul3A_18 : vector<1000x128xf32>
    %add3A_30 = arith.constant 5.12229725E-8 : f32
    %add3A_31 = vector.broadcast %add3A_30 : f32 to vector<1000x128xf32>
    %add3A_32 = arith.addf %mul3A_29, %add3A_31 : vector<1000x128xf32>
    %mul3A_33 = arith.mulf %add3A_32, %mul3A_18 : vector<1000x128xf32>
    %add3A_34 = arith.constant 1.48572235E-5 : f32
    %add3A_35 = vector.broadcast %add3A_34 : f32 to vector<1000x128xf32>
    %add3A_36 = arith.addf %mul3A_33, %add3A_35 : vector<1000x128xf32>
    %mul3A_37 = arith.mulf %add3A_36, %mul3A_18 : vector<1000x128xf32>
    %add3A_38 = arith.constant 6.37261954E-4 : f32
    %add3A_39 = vector.broadcast %add3A_38 : f32 to vector<1000x128xf32>
    %add3A_40 = arith.addf %mul3A_37, %add3A_39 : vector<1000x128xf32>
    %mul3A_41 = arith.mulf %add3A_40, %mul3A_18 : vector<1000x128xf32>
    %add3A_42 = arith.constant 0.00489352457 : f32
    %add3A_43 = vector.broadcast %add3A_42 : f32 to vector<1000x128xf32>
    %add3A_44 = arith.addf %mul3A_41, %add3A_43 : vector<1000x128xf32>
    %mul3A_45 = arith.mulf %add3A_44, %min3A_17 : vector<1000x128xf32>
    %mul3A_46 = arith.constant 1.19825836E-6 : f32
    %mul3A_47 = vector.broadcast %mul3A_46 : f32 to vector<1000x128xf32>
    %mul3A_48 = arith.mulf %mul3A_47, %mul3A_18 : vector<1000x128xf32>
    %add3A_49 = arith.constant 1.18534706E-4 : f32
    %add3A_50 = vector.broadcast %add3A_49 : f32 to vector<1000x128xf32>
    %add3A_51 = arith.addf %mul3A_48, %add3A_50 : vector<1000x128xf32>
    %mul3A_52 = arith.mulf %add3A_51, %mul3A_18 : vector<1000x128xf32>
    %add3A_53 = arith.constant 0.00226843474 : f32
    %add3A_54 = vector.broadcast %add3A_53 : f32 to vector<1000x128xf32>
    %add3A_55 = arith.addf %mul3A_52, %add3A_54 : vector<1000x128xf32>
    %mul3A_56 = arith.mulf %add3A_55, %mul3A_18 : vector<1000x128xf32>
    %add3A_57 = arith.constant 0.00489352504 : f32
    %add3A_58 = vector.broadcast %add3A_57 : f32 to vector<1000x128xf32>
    %add3A_59 = arith.addf %mul3A_56, %add3A_58 : vector<1000x128xf32>
    %abs3A = math.absf %mul3A_14 : vector<1000x128xf32>
    %lt3A = arith.constant 4.000000e-04 : f32
    %lt3A_60 = vector.broadcast %lt3A : f32 to vector<1000x128xf32>
    %lt3A_61 = arith.cmpf olt, %abs3A, %lt3A_60 : vector<1000x128xf32>
    %div3A = arith.divf %mul3A_45, %add3A_59 : vector<1000x128xf32>
    %select_n3A = arith.select %lt3A_61, %mul3A_14, %div3A : vector<1000x128xi1>, vector<1000x128xf32>
    %mul3A_62 = arith.constant 5.000000e-01 : f32
    %mul3A_63 = vector.broadcast %mul3A_62 : f32 to vector<1000x128xf32>
    %mul3A_64 = arith.mulf %mul3A_63, %select_n3A : vector<1000x128xf32>
    %add3A_65 = arith.constant 5.000000e-01 : f32
    %add3A_66 = vector.broadcast %add3A_65 : f32 to vector<1000x128xf32>
    %add3A_67 = arith.addf %mul3A_64, %add3A_66 : vector<1000x128xf32>
    %slice3A_68 = vector.extract_strided_slice %get3A_4 {offsets = [0, 256], sizes = [1, 128], strides = [1, 1]} : vector<1x512xf32> to vector<1x128xf32>
    %mul3A_69 = vector.broadcast %get3A_1 : vector<1000x1xf32> to vector<1000x128xf32>
    %mul3A_70 = vector.broadcast %slice3A_68 : vector<1x128xf32> to vector<1000x128xf32>
    %mul3A_71 = arith.mulf %mul3A_69, %mul3A_70 : vector<1000x128xf32>
    %slice3A_72 = vector.extract_strided_slice %get3A_7 {offsets = [0, 256], sizes = [1, 128], strides = [1, 1]} : vector<1x512xf32> to vector<1x128xf32>
    %add3A_73 = vector.broadcast %slice3A_72 : vector<1x128xf32> to vector<1000x128xf32>
    %add3A_74 = arith.addf %mul3A_71, %add3A_73 : vector<1000x128xf32>
    %jit3A_75 = arith.constant -7.90531111 : f32
    %jit3A_76 = arith.constant 7.90531111 : f32
    %max3A_77 = vector.broadcast %jit3A_75 : f32 to vector<1000x128xf32>
    %max3A_78 = arith.maximumf %max3A_77, %add3A_74 : vector<1000x128xf32>
    %min3A_79 = vector.broadcast %jit3A_76 : f32 to vector<1000x128xf32>
    %min3A_80 = arith.minimumf %min3A_79, %max3A_78 : vector<1000x128xf32>
    %mul3A_81 = arith.mulf %min3A_80, %min3A_80 : vector<1000x128xf32>
    %mul3A_82 = arith.constant -2.76076837E-16 : f32
    %mul3A_83 = vector.broadcast %mul3A_82 : f32 to vector<1000x128xf32>
    %mul3A_84 = arith.mulf %mul3A_83, %mul3A_81 : vector<1000x128xf32>
    %add3A_85 = arith.constant 2.00018794E-13 : f32
    %add3A_86 = vector.broadcast %add3A_85 : f32 to vector<1000x128xf32>
    %add3A_87 = arith.addf %mul3A_84, %add3A_86 : vector<1000x128xf32>
    %mul3A_88 = arith.mulf %add3A_87, %mul3A_81 : vector<1000x128xf32>
    %add3A_89 = arith.constant -8.60467184E-11 : f32
    %add3A_90 = vector.broadcast %add3A_89 : f32 to vector<1000x128xf32>
    %add3A_91 = arith.addf %mul3A_88, %add3A_90 : vector<1000x128xf32>
    %mul3A_92 = arith.mulf %add3A_91, %mul3A_81 : vector<1000x128xf32>
    %add3A_93 = arith.constant 5.12229725E-8 : f32
    %add3A_94 = vector.broadcast %add3A_93 : f32 to vector<1000x128xf32>
    %add3A_95 = arith.addf %mul3A_92, %add3A_94 : vector<1000x128xf32>
    %mul3A_96 = arith.mulf %add3A_95, %mul3A_81 : vector<1000x128xf32>
    %add3A_97 = arith.constant 1.48572235E-5 : f32
    %add3A_98 = vector.broadcast %add3A_97 : f32 to vector<1000x128xf32>
    %add3A_99 = arith.addf %mul3A_96, %add3A_98 : vector<1000x128xf32>
    %mul3A_100 = arith.mulf %add3A_99, %mul3A_81 : vector<1000x128xf32>
    %add3A_101 = arith.constant 6.37261954E-4 : f32
    %add3A_102 = vector.broadcast %add3A_101 : f32 to vector<1000x128xf32>
    %add3A_103 = arith.addf %mul3A_100, %add3A_102 : vector<1000x128xf32>
    %mul3A_104 = arith.mulf %add3A_103, %mul3A_81 : vector<1000x128xf32>
    %add3A_105 = arith.constant 0.00489352457 : f32
    %add3A_106 = vector.broadcast %add3A_105 : f32 to vector<1000x128xf32>
    %add3A_107 = arith.addf %mul3A_104, %add3A_106 : vector<1000x128xf32>
    %mul3A_108 = arith.mulf %add3A_107, %min3A_80 : vector<1000x128xf32>
    %mul3A_109 = arith.constant 1.19825836E-6 : f32
    %mul3A_110 = vector.broadcast %mul3A_109 : f32 to vector<1000x128xf32>
    %mul3A_111 = arith.mulf %mul3A_110, %mul3A_81 : vector<1000x128xf32>
    %add3A_112 = arith.constant 1.18534706E-4 : f32
    %add3A_113 = vector.broadcast %add3A_112 : f32 to vector<1000x128xf32>
    %add3A_114 = arith.addf %mul3A_111, %add3A_113 : vector<1000x128xf32>
    %mul3A_115 = arith.mulf %add3A_114, %mul3A_81 : vector<1000x128xf32>
    %add3A_116 = arith.constant 0.00226843474 : f32
    %add3A_117 = vector.broadcast %add3A_116 : f32 to vector<1000x128xf32>
    %add3A_118 = arith.addf %mul3A_115, %add3A_117 : vector<1000x128xf32>
    %mul3A_119 = arith.mulf %add3A_118, %mul3A_81 : vector<1000x128xf32>
    %add3A_120 = arith.constant 0.00489352504 : f32
    %add3A_121 = vector.broadcast %add3A_120 : f32 to vector<1000x128xf32>
    %add3A_122 = arith.addf %mul3A_119, %add3A_121 : vector<1000x128xf32>
    %abs3A_123 = math.absf %add3A_74 : vector<1000x128xf32>
    %lt3A_124 = arith.constant 4.000000e-04 : f32
    %lt3A_125 = vector.broadcast %lt3A_124 : f32 to vector<1000x128xf32>
    %lt3A_126 = arith.cmpf olt, %abs3A_123, %lt3A_125 : vector<1000x128xf32>
    %div3A_127 = arith.divf %mul3A_108, %add3A_122 : vector<1000x128xf32>
    %select_n3A_128 = arith.select %lt3A_126, %add3A_74, %div3A_127 : vector<1000x128xi1>, vector<1000x128xf32>
    %slice3A_129 = vector.extract_strided_slice %get3A_4 {offsets = [0, 384], sizes = [1, 128], strides = [1, 1]} : vector<1x512xf32> to vector<1x128xf32>
    %mul3A_130 = vector.broadcast %get3A_1 : vector<1000x1xf32> to vector<1000x128xf32>
    %mul3A_131 = vector.broadcast %slice3A_129 : vector<1x128xf32> to vector<1000x128xf32>
    %mul3A_132 = arith.mulf %mul3A_130, %mul3A_131 : vector<1000x128xf32>
    %slice3A_133 = vector.extract_strided_slice %get3A_7 {offsets = [0, 384], sizes = [1, 128], strides = [1, 1]} : vector<1x512xf32> to vector<1x128xf32>
    %add3A_134 = vector.broadcast %slice3A_133 : vector<1x128xf32> to vector<1000x128xf32>
    %add3A_135 = arith.addf %mul3A_132, %add3A_134 : vector<1000x128xf32>
    %mul3A_136 = arith.constant 5.000000e-01 : f32
    %mul3A_137 = vector.broadcast %mul3A_136 : f32 to vector<1000x128xf32>
    %mul3A_138 = arith.mulf %mul3A_137, %add3A_135 : vector<1000x128xf32>
    %jit3A_139 = arith.constant -7.90531111 : f32
    %jit3A_140 = arith.constant 7.90531111 : f32
    %max3A_141 = vector.broadcast %jit3A_139 : f32 to vector<1000x128xf32>
    %max3A_142 = arith.maximumf %max3A_141, %mul3A_138 : vector<1000x128xf32>
    %min3A_143 = vector.broadcast %jit3A_140 : f32 to vector<1000x128xf32>
    %min3A_144 = arith.minimumf %min3A_143, %max3A_142 : vector<1000x128xf32>
    %mul3A_145 = arith.mulf %min3A_144, %min3A_144 : vector<1000x128xf32>
    %mul3A_146 = arith.constant -2.76076837E-16 : f32
    %mul3A_147 = vector.broadcast %mul3A_146 : f32 to vector<1000x128xf32>
    %mul3A_148 = arith.mulf %mul3A_147, %mul3A_145 : vector<1000x128xf32>
    %add3A_149 = arith.constant 2.00018794E-13 : f32
    %add3A_150 = vector.broadcast %add3A_149 : f32 to vector<1000x128xf32>
    %add3A_151 = arith.addf %mul3A_148, %add3A_150 : vector<1000x128xf32>
    %mul3A_152 = arith.mulf %add3A_151, %mul3A_145 : vector<1000x128xf32>
    %add3A_153 = arith.constant -8.60467184E-11 : f32
    %add3A_154 = vector.broadcast %add3A_153 : f32 to vector<1000x128xf32>
    %add3A_155 = arith.addf %mul3A_152, %add3A_154 : vector<1000x128xf32>
    %mul3A_156 = arith.mulf %add3A_155, %mul3A_145 : vector<1000x128xf32>
    %add3A_157 = arith.constant 5.12229725E-8 : f32
    %add3A_158 = vector.broadcast %add3A_157 : f32 to vector<1000x128xf32>
    %add3A_159 = arith.addf %mul3A_156, %add3A_158 : vector<1000x128xf32>
    %mul3A_160 = arith.mulf %add3A_159, %mul3A_145 : vector<1000x128xf32>
    %add3A_161 = arith.constant 1.48572235E-5 : f32
    %add3A_162 = vector.broadcast %add3A_161 : f32 to vector<1000x128xf32>
    %add3A_163 = arith.addf %mul3A_160, %add3A_162 : vector<1000x128xf32>
    %mul3A_164 = arith.mulf %add3A_163, %mul3A_145 : vector<1000x128xf32>
    %add3A_165 = arith.constant 6.37261954E-4 : f32
    %add3A_166 = vector.broadcast %add3A_165 : f32 to vector<1000x128xf32>
    %add3A_167 = arith.addf %mul3A_164, %add3A_166 : vector<1000x128xf32>
    %mul3A_168 = arith.mulf %add3A_167, %mul3A_145 : vector<1000x128xf32>
    %add3A_169 = arith.constant 0.00489352457 : f32
    %add3A_170 = vector.broadcast %add3A_169 : f32 to vector<1000x128xf32>
    %add3A_171 = arith.addf %mul3A_168, %add3A_170 : vector<1000x128xf32>
    %mul3A_172 = arith.mulf %add3A_171, %min3A_144 : vector<1000x128xf32>
    %mul3A_173 = arith.constant 1.19825836E-6 : f32
    %mul3A_174 = vector.broadcast %mul3A_173 : f32 to vector<1000x128xf32>
    %mul3A_175 = arith.mulf %mul3A_174, %mul3A_145 : vector<1000x128xf32>
    %add3A_176 = arith.constant 1.18534706E-4 : f32
    %add3A_177 = vector.broadcast %add3A_176 : f32 to vector<1000x128xf32>
    %add3A_178 = arith.addf %mul3A_175, %add3A_177 : vector<1000x128xf32>
    %mul3A_179 = arith.mulf %add3A_178, %mul3A_145 : vector<1000x128xf32>
    %add3A_180 = arith.constant 0.00226843474 : f32
    %add3A_181 = vector.broadcast %add3A_180 : f32 to vector<1000x128xf32>
    %add3A_182 = arith.addf %mul3A_179, %add3A_181 : vector<1000x128xf32>
    %mul3A_183 = arith.mulf %add3A_182, %mul3A_145 : vector<1000x128xf32>
    %add3A_184 = arith.constant 0.00489352504 : f32
    %add3A_185 = vector.broadcast %add3A_184 : f32 to vector<1000x128xf32>
    %add3A_186 = arith.addf %mul3A_183, %add3A_185 : vector<1000x128xf32>
    %abs3A_187 = math.absf %mul3A_138 : vector<1000x128xf32>
    %lt3A_188 = arith.constant 4.000000e-04 : f32
    %lt3A_189 = vector.broadcast %lt3A_188 : f32 to vector<1000x128xf32>
    %lt3A_190 = arith.cmpf olt, %abs3A_187, %lt3A_189 : vector<1000x128xf32>
    %div3A_191 = arith.divf %mul3A_172, %add3A_186 : vector<1000x128xf32>
    %select_n3A_192 = arith.select %lt3A_190, %mul3A_138, %div3A_191 : vector<1000x128xi1>, vector<1000x128xf32>
    %mul3A_193 = arith.constant 5.000000e-01 : f32
    %mul3A_194 = vector.broadcast %mul3A_193 : f32 to vector<1000x128xf32>
    %mul3A_195 = arith.mulf %mul3A_194, %select_n3A_192 : vector<1000x128xf32>
    %add3A_196 = arith.constant 5.000000e-01 : f32
    %add3A_197 = vector.broadcast %add3A_196 : f32 to vector<1000x128xf32>
    %add3A_198 = arith.addf %mul3A_195, %add3A_197 : vector<1000x128xf32>
    %mul3A_199 = arith.mulf %add3A_67, %select_n3A_128 : vector<1000x128xf32>
    %jit3A_200 = arith.constant -7.90531111 : f32
    %jit3A_201 = arith.constant 7.90531111 : f32
    %max3A_202 = vector.broadcast %jit3A_200 : f32 to vector<1000x128xf32>
    %max3A_203 = arith.maximumf %max3A_202, %mul3A_199 : vector<1000x128xf32>
    %min3A_204 = vector.broadcast %jit3A_201 : f32 to vector<1000x128xf32>
    %min3A_205 = arith.minimumf %min3A_204, %max3A_203 : vector<1000x128xf32>
    %mul3A_206 = arith.mulf %min3A_205, %min3A_205 : vector<1000x128xf32>
    %mul3A_207 = arith.constant -2.76076837E-16 : f32
    %mul3A_208 = vector.broadcast %mul3A_207 : f32 to vector<1000x128xf32>
    %mul3A_209 = arith.mulf %mul3A_208, %mul3A_206 : vector<1000x128xf32>
    %add3A_210 = arith.constant 2.00018794E-13 : f32
    %add3A_211 = vector.broadcast %add3A_210 : f32 to vector<1000x128xf32>
    %add3A_212 = arith.addf %mul3A_209, %add3A_211 : vector<1000x128xf32>
    %mul3A_213 = arith.mulf %add3A_212, %mul3A_206 : vector<1000x128xf32>
    %add3A_214 = arith.constant -8.60467184E-11 : f32
    %add3A_215 = vector.broadcast %add3A_214 : f32 to vector<1000x128xf32>
    %add3A_216 = arith.addf %mul3A_213, %add3A_215 : vector<1000x128xf32>
    %mul3A_217 = arith.mulf %add3A_216, %mul3A_206 : vector<1000x128xf32>
    %add3A_218 = arith.constant 5.12229725E-8 : f32
    %add3A_219 = vector.broadcast %add3A_218 : f32 to vector<1000x128xf32>
    %add3A_220 = arith.addf %mul3A_217, %add3A_219 : vector<1000x128xf32>
    %mul3A_221 = arith.mulf %add3A_220, %mul3A_206 : vector<1000x128xf32>
    %add3A_222 = arith.constant 1.48572235E-5 : f32
    %add3A_223 = vector.broadcast %add3A_222 : f32 to vector<1000x128xf32>
    %add3A_224 = arith.addf %mul3A_221, %add3A_223 : vector<1000x128xf32>
    %mul3A_225 = arith.mulf %add3A_224, %mul3A_206 : vector<1000x128xf32>
    %add3A_226 = arith.constant 6.37261954E-4 : f32
    %add3A_227 = vector.broadcast %add3A_226 : f32 to vector<1000x128xf32>
    %add3A_228 = arith.addf %mul3A_225, %add3A_227 : vector<1000x128xf32>
    %mul3A_229 = arith.mulf %add3A_228, %mul3A_206 : vector<1000x128xf32>
    %add3A_230 = arith.constant 0.00489352457 : f32
    %add3A_231 = vector.broadcast %add3A_230 : f32 to vector<1000x128xf32>
    %add3A_232 = arith.addf %mul3A_229, %add3A_231 : vector<1000x128xf32>
    %mul3A_233 = arith.mulf %add3A_232, %min3A_205 : vector<1000x128xf32>
    %mul3A_234 = arith.constant 1.19825836E-6 : f32
    %mul3A_235 = vector.broadcast %mul3A_234 : f32 to vector<1000x128xf32>
    %mul3A_236 = arith.mulf %mul3A_235, %mul3A_206 : vector<1000x128xf32>
    %add3A_237 = arith.constant 1.18534706E-4 : f32
    %add3A_238 = vector.broadcast %add3A_237 : f32 to vector<1000x128xf32>
    %add3A_239 = arith.addf %mul3A_236, %add3A_238 : vector<1000x128xf32>
    %mul3A_240 = arith.mulf %add3A_239, %mul3A_206 : vector<1000x128xf32>
    %add3A_241 = arith.constant 0.00226843474 : f32
    %add3A_242 = vector.broadcast %add3A_241 : f32 to vector<1000x128xf32>
    %add3A_243 = arith.addf %mul3A_240, %add3A_242 : vector<1000x128xf32>
    %mul3A_244 = arith.mulf %add3A_243, %mul3A_206 : vector<1000x128xf32>
    %add3A_245 = arith.constant 0.00489352504 : f32
    %add3A_246 = vector.broadcast %add3A_245 : f32 to vector<1000x128xf32>
    %add3A_247 = arith.addf %mul3A_244, %add3A_246 : vector<1000x128xf32>
    %abs3A_248 = math.absf %mul3A_199 : vector<1000x128xf32>
    %lt3A_249 = arith.constant 4.000000e-04 : f32
    %lt3A_250 = vector.broadcast %lt3A_249 : f32 to vector<1000x128xf32>
    %lt3A_251 = arith.cmpf olt, %abs3A_248, %lt3A_250 : vector<1000x128xf32>
    %div3A_252 = arith.divf %mul3A_233, %add3A_247 : vector<1000x128xf32>
    %select_n3A_253 = arith.select %lt3A_251, %mul3A_199, %div3A_252 : vector<1000x128xi1>, vector<1000x128xf32>
    %mul3A_254 = arith.mulf %add3A_198, %select_n3A_253 : vector<1000x128xf32>
    %swap3A = arith.constant 0 : index
    %swap3A_255 = arith.constant 0 : index
    %swap3A_256 = vector.load %arg3[%swap3A, %swap3A_255] : memref<1000x128xf32, #tpu.memory_space<vmem>>, vector<1000x128xf32>
    tpu.vector_store %arg3[%swap3A, %swap3A_255], %mul3A_254 {strides = array<i32>} : memref<1000x128xf32, #tpu.memory_space<vmem>>, vector<1000x128xf32>,
    %swap3A_257 = arith.constant 0 : index
    %swap3A_258 = arith.constant 0 : index
    %swap3A_259 = vector.load %arg4[%swap3A_257, %swap3A_258] : memref<1000x128xf32, #tpu.memory_space<vmem>>, vector<1000x128xf32>
    tpu.vector_store %arg4[%swap3A_257, %swap3A_258], %mul3A_199 {strides = array<i32>} : memref<1000x128xf32, #tpu.memory_space<vmem>>, vector<1000x128xf32>,
    return
  }
  func.func @transform_0(%arg0: i32) -> (i32, i32) {
    %c0_i32 = arith.constant 0 : i32
    %c0_i32_0 = arith.constant 0 : i32
    return %arg0, %c0_i32 : i32, i32
  }
  func.func @transform_1(%arg0: i32) -> (i32, i32) {
    %c0_i32 = arith.constant 0 : i32
    %c0_i32_0 = arith.constant 0 : i32
    %c0_i32_1 = arith.constant 0 : i32
    return %c0_i32, %c0_i32_0 : i32, i32
  }
  func.func @transform_2(%arg0: i32) -> (i32, i32) {
    %c0_i32 = arith.constant 0 : i32
    %c0_i32_0 = arith.constant 0 : i32
    return %arg0, %c0_i32 : i32, i32
  }
  func.func @transform_3(%arg0: i32) -> (i32, i32) {
    %c0_i32 = arith.constant 0 : i32
    %c0_i32_0 = arith.constant 0 : i32
    return %arg0, %c0_i32 : i32, i32
  }
}

module attributes {stable_mosaic.version = 14 : i64} {
  func.func @_k4_body(%arg0: i32, %arg1: memref<1000x128xf32, #tpu.memory_space<vmem>>, %arg2: memref<1000x128xf32, #tpu.memory_space<vmem>>, %arg3: memref<1000x128xf32, #tpu.memory_space<vmem>>, %arg4: memref<128x128xf32, #tpu.memory_space<vmem>>, %arg5: memref<1x128xf32, #tpu.memory_space<vmem>>, %arg6: memref<2x128xf32, #tpu.memory_space<vmem>>, %arg7: memref<1x1xf32, #tpu.memory_space<vmem>>, %arg8: memref<1000x1xf32, #tpu.memory_space<vmem>>, %arg9: memref<1000x1xf32, #tpu.memory_space<vmem>>) attributes {dimension_semantics = [#tpu.dimension_semantics<arbitrary>], iteration_bounds = array<i64: 10>, scalar_prefetch = 0 : i64, scratch_operands = 0 : i64, tpu.core_type = #tpu.core_type<tc>, window_params = [{transform_indices = @transform_0, window_bounds = array<i64: 1000, 128>}, {transform_indices = @transform_1, window_bounds = array<i64: 1000, 128>}, {transform_indices = @transform_2, window_bounds = array<i64: 1000, 128>}, {pipeline_mode = #tpu.pipeline_mode<synchronous>, transform_indices = @transform_3, window_bounds = array<i64: 128, 128>}, {pipeline_mode = #tpu.pipeline_mode<synchronous>, transform_indices = @transform_4, window_bounds = array<i64: 1, 128>}, {pipeline_mode = #tpu.pipeline_mode<synchronous>, transform_indices = @transform_5, window_bounds = array<i64: 2, 128>}, {pipeline_mode = #tpu.pipeline_mode<synchronous>, transform_indices = @transform_6, window_bounds = array<i64: 1, 1>}, {transform_indices = @transform_7, window_bounds = array<i64: 1000, 1>}, {transform_indices = @transform_8, window_bounds = array<i64: 1000, 1>}]} {
    %get3A = arith.constant 0 : index
    %get3A_0 = arith.constant 0 : index
    %get3A_1 = vector.load %arg1[%get3A, %get3A_0] : memref<1000x128xf32, #tpu.memory_space<vmem>>, vector<1000x128xf32>
    %get3A_2 = arith.constant 0 : index
    %get3A_3 = arith.constant 0 : index
    %get3A_4 = vector.load %arg2[%get3A_2, %get3A_3] : memref<1000x128xf32, #tpu.memory_space<vmem>>, vector<1000x128xf32>
    %add3A = arith.addf %get3A_1, %get3A_4 : vector<1000x128xf32>
    %get3A_5 = arith.constant 0 : index
    %get3A_6 = arith.constant 0 : index
    %get3A_7 = vector.load %arg3[%get3A_5, %get3A_6] : memref<1000x128xf32, #tpu.memory_space<vmem>>, vector<1000x128xf32>
    %add3A_8 = arith.addf %add3A, %get3A_7 : vector<1000x128xf32>
    %get3A_9 = arith.constant 0 : index
    %get3A_10 = arith.constant 0 : index
    %get3A_11 = vector.load %arg4[%get3A_9, %get3A_10] : memref<128x128xf32, #tpu.memory_space<vmem>>, vector<128x128xf32>
    %dot_general3A = arith.constant dense<0.000000e+00> : vector<1000x128xf32>
    %dot_general3A_12 = tpu.matmul %add3A_8, %get3A_11, %dot_general3A {dimension_numbers = #tpu.dot_dimension_numbers<[1], [1], [0], [0], [0, 0, 1, 0], [], []>, precision = #tpu.contract_precision<fp32>, transpose_lhs_hint = false} : vector<1000x128xf32>, vector<128x128xf32>, vector<1000x128xf32> -> vector<1000x128xf32>
    %get3A_13 = arith.constant 0 : index
    %get3A_14 = arith.constant 0 : index
    %get3A_15 = vector.load %arg5[%get3A_13, %get3A_14] : memref<1x128xf32, #tpu.memory_space<vmem>>, vector<1x128xf32>
    %add3A_16 = vector.broadcast %get3A_15 : vector<1x128xf32> to vector<1000x128xf32>
    %add3A_17 = arith.addf %dot_general3A_12, %add3A_16 : vector<1000x128xf32>
    %get3A_18 = arith.constant 0 : index
    %get3A_19 = arith.constant 0 : index
    %get3A_20 = vector.load %arg6[%get3A_18, %get3A_19] : memref<2x128xf32, #tpu.memory_space<vmem>>, vector<2x128xf32>
    %dot_general3A_21 = arith.constant dense<0.000000e+00> : vector<1000x2xf32>
    %dot_general3A_22 = tpu.matmul %add3A_17, %get3A_20, %dot_general3A_21 {dimension_numbers = #tpu.dot_dimension_numbers<[1], [1], [0], [0], [0, 0, 1, 0], [], []>, precision = #tpu.contract_precision<fp32>, transpose_lhs_hint = false} : vector<1000x128xf32>, vector<2x128xf32>, vector<1000x2xf32> -> vector<1000x2xf32>
    %slice3A = vector.extract_strided_slice %dot_general3A_22 {offsets = [0, 0], sizes = [1000, 1], strides = [1, 1]} : vector<1000x2xf32> to vector<1000x1xf32>
    %swap3A = arith.constant 0 : index
    %swap3A_23 = arith.constant 0 : index
    %swap3A_24 = vector.load %arg8[%swap3A, %swap3A_23] : memref<1000x1xf32, #tpu.memory_space<vmem>>, vector<1000x1xf32>
    tpu.vector_store %arg8[%swap3A, %swap3A_23], %slice3A {strides = array<i32>} : memref<1000x1xf32, #tpu.memory_space<vmem>>, vector<1000x1xf32>,
    %slice3A_25 = vector.extract_strided_slice %dot_general3A_22 {offsets = [0, 1], sizes = [1000, 1], strides = [1, 1]} : vector<1000x2xf32> to vector<1000x1xf32>
    %get3A_26 = arith.constant 0 : index
    %get3A_27 = arith.constant 0 : index
    %get3A_28 = vector.load %arg7[%get3A_26, %get3A_27] : memref<1x1xf32, #tpu.memory_space<vmem>>, vector<1x1xf32>
    %add3A_29 = vector.broadcast %get3A_28 : vector<1x1xf32> to vector<1000x1xf32>
    %add3A_30 = arith.addf %slice3A_25, %add3A_29 : vector<1000x1xf32>
    %swap3A_31 = arith.constant 0 : index
    %swap3A_32 = arith.constant 0 : index
    %swap3A_33 = vector.load %arg9[%swap3A_31, %swap3A_32] : memref<1000x1xf32, #tpu.memory_space<vmem>>, vector<1000x1xf32>
    tpu.vector_store %arg9[%swap3A_31, %swap3A_32], %add3A_30 {strides = array<i32>} : memref<1000x1xf32, #tpu.memory_space<vmem>>, vector<1000x1xf32>,
    return
  }
  func.func @transform_0(%arg0: i32) -> (i32, i32) {
    %c0_i32 = arith.constant 0 : i32
    %c0_i32_0 = arith.constant 0 : i32
    return %arg0, %c0_i32 : i32, i32
  }
  func.func @transform_1(%arg0: i32) -> (i32, i32) {
    %c0_i32 = arith.constant 0 : i32
    %c0_i32_0 = arith.constant 0 : i32
    return %arg0, %c0_i32 : i32, i32
  }
  func.func @transform_2(%arg0: i32) -> (i32, i32) {
    %c0_i32 = arith.constant 0 : i32
    %c0_i32_0 = arith.constant 0 : i32
    return %arg0, %c0_i32 : i32, i32
  }
  func.func @transform_3(%arg0: i32) -> (i32, i32) {
    %c0_i32 = arith.constant 0 : i32
    %c0_i32_0 = arith.constant 0 : i32
    %c0_i32_1 = arith.constant 0 : i32
    return %c0_i32, %c0_i32_0 : i32, i32
  }
  func.func @transform_4(%arg0: i32) -> (i32, i32) {
    %c0_i32 = arith.constant 0 : i32
    %c0_i32_0 = arith.constant 0 : i32
    %c0_i32_1 = arith.constant 0 : i32
    return %c0_i32, %c0_i32_0 : i32, i32
  }
  func.func @transform_5(%arg0: i32) -> (i32, i32) {
    %c0_i32 = arith.constant 0 : i32
    %c0_i32_0 = arith.constant 0 : i32
    %c0_i32_1 = arith.constant 0 : i32
    return %c0_i32, %c0_i32_0 : i32, i32
  }
  func.func @transform_6(%arg0: i32) -> (i32, i32) {
    %c0_i32 = arith.constant 0 : i32
    %c0_i32_0 = arith.constant 0 : i32
    %c0_i32_1 = arith.constant 0 : i32
    return %c0_i32, %c0_i32_0 : i32, i32
  }
  func.func @transform_7(%arg0: i32) -> (i32, i32) {
    %c0_i32 = arith.constant 0 : i32
    %c0_i32_0 = arith.constant 0 : i32
    return %arg0, %c0_i32 : i32, i32
  }
  func.func @transform_8(%arg0: i32) -> (i32, i32) {
    %c0_i32 = arith.constant 0 : i32
    %c0_i32_0 = arith.constant 0 : i32
    return %arg0, %c0_i32 : i32, i32
  }
}

</mosaic_0001>

<sc_bundles>
// kernel: kernel.12.cloned.1.call-start
scs
__scs_entry_jumppad:
0x0: {  	(pc) =	sbr.rel $0x88, $3  }
0x1: {  	(tag) =	ssettag $0x0;
	lr =	simm.s32 $0x1  }
0x2: {  	[smem:$0x3F91] =	sst lr;
	_ =	strace $0xD0000000  }
0x3: {  	_ = 	snop  }
0x4: {  	_ = 	snop  }
0x5: {  	_ = 	snop  }
0x6: {  	_ = 	snop  }
0x7: {  	_ = 	snop  }
__scs_overlays_trampoline_lowered:
0x8: {  	[smem:$0x3FA0] =	sst s0  }
0x9: {  	[smem:$0x3FA1] =	sst s1  }
0xa: {  	[smem:$0x3FA2] =	sst s2  }
0xb: {  	[smem:$0x3FA3] =	sst s3  }
0xc: {  	[smem:$0x3FA4] =	sst s4  }
0xd: {  	[smem:$0x3FA5] =	sst s5  }
0xe: {  	[smem:$0x3FA6] =	sst s6  }
0xf: {  	[smem:$0x3FA7] =	sst s7  }
0x10: {  	[smem:$0x3FA8] =	sst s8  }
0x11: {  	[smem:$0x3FA9] =	sst s9;
	s0 =	simm.s32 @!p0 $0x0  }
0x12: {  	s1 =	sld [smem:$0x3F8F];
	s0 =	simm.s32 @p0 $0x1  }
0x13: {  	[smem:$0x3FAA] =	sst s0;
	s0 =	simm.s32 @!p1 $0x0  }
0x14: {  	s2 =	sld [smem:$0x3F8E];
	s0 =	simm.s32 @p1 $0x1  }
0x15: {  	[smem:$0x3FAB] =	sst s0;
	s0 =	simm.s32 @!p2 $0x0  }
0x16: {  	s3 =	sld [smem:$0x3FDB];
	s0 =	simm.s32 @p2 $0x1  }
0x17: {  	s4 =	simm.s32 $0x1BF5;
	[smem:$0x3FAD] =	sst s0  }
0x18: {  	s0 =	sld [smem:$0x3F90];
	_ =	swait.ge [sflag:s4], $0x0  }
0x19: {  	s7 =	sld [smem:$0x3F91]  }
0x1a: {  	s8 =	sadd.s32 $0xFFFFE003, lr  }
0x1b: {  	s9 =	sadd.s32 $0xFFFFFEF7, lr;
	s5 =	simm.s32 $0xFFFFFFFF;
	p2 =	slt.u32 s8, $0xFFFFF086  }
0x1c: {  	p1 =	slt.u32 s9, $0xF7A;
	s5 =	simm.s32 @!p2 $0x0  }
0x1d: {  	s5 =	simm.s32 @p1 $0x1;
	p0 =	seq.s32 s7, s2  }
0x1e: {  	s7 =	smul.u32 @!p0 $0xF7A, s2;
	p2 =	seq.s32 @!p0 s5, $0x0  }
0x1f: {  	s9 =	smul.u32 $0xF7A, s1;
	s8 =	simm.s32 @!p0 $0x1BF5;
	p2 =	por !p2, p0  }
0x20: {  	[sflag:s8] =	ssyncset.s32 @!p0 $0xFFFFF086;
	s6 =	sadd.s32 @!p0 s3, s7;
	s7 =	simm.s32 @!p0 $0x108  }
0x21: {  	s3 =	sadd.s32 s3, s9;
	s6 =	sadd.s32 @!p0 $0x88, s6;
	s7 =	simm.s32 @p2 $0x1082  }
0x22: {  	[simem:s7], [sflag:s8] =	dma.local @!p0 [hbm:s6], $0xF7A  }
0x23: {  	s9 =	sor.u32 $0xD0000000, s2;
	s6 =	simm.s32 $0x108;
	_ =	swait.ge @!p0 [sflag:s8], $0x0  }
0x24: {  	s3 =	sadd.s32 $0x88, s3;
	s6 =	simm.s32 @!p1 $0x1082;
	[sflag:s4] =	ssyncset.s32 $0xFFFFF086  }
0x25: {  	[simem:s6], [sflag:s4] =	dma.local [hbm:s3], $0xF7A  }
0x26: {  	[smem:$0x3F91] =	sst s1;
	(tag) =	ssettag s2;
	_ =	strace s9  }
0x27: {  	s1 =	sld [smem:$0x3FA1]  }
0x28: {  	s2 =	sld [smem:$0x3FA2]  }
0x29: {  	s4 =	sld [smem:$0x3FA4]  }
0x2a: {  	p0 =	seq.s32 s5, $0x0;
	s5 =	sld [smem:$0x3FA5]  }
0x2b: {  	s6 =	sld [smem:$0x3FA6]  }
0x2c: {  	s7 =	sld [smem:$0x3FA7]  }
0x2d: {  	s3 =	simm.s32 $0x108;
	s8 =	sld [smem:$0x3FA8]  }
0x2e: {  	s3 =	simm.s32 @!p0 $0x1082;
	s9 =	sld [smem:$0x3FA9]  }
0x2f: {  	lr =	sadd.s32 s0, s3;
	s0 =	sld [smem:$0x3FA0]  }
0x30: {  	s3 =	sld [smem:$0x3FA3]  }
0x31: {  	[smem:$0x3FAC] =	sst s10  }
0x32: {  	s10 =	sld [smem:$0x3FAA];
	_ =	sdelay $0x3  }
0x33: {  	p0 =	seq.s32 s10, $0x1;
	s10 =	sld [smem:$0x3FAC];
	_ =	sdelay $0x3  }
0x34: {  	[smem:$0x3FAC] =	sst s10  }
0x35: {  	s10 =	sld [smem:$0x3FAB];
	_ =	sdelay $0x3  }
0x36: {  	p1 =	seq.s32 s10, $0x1;
	s10 =	sld [smem:$0x3FAC];
	_ =	sdelay $0x3  }
0x37: {  	[smem:$0x3FAC] =	sst s10  }
0x38: {  	s10 =	sld [smem:$0x3FAD]  }
0x39: {  	_ = 	snop;
	(pc) =	sbr.ind lr, $3  }
0x3a: {  	_ = 	snop  }
0x3b: {  	_ = 	snop  }
0x3c: {  	p2 =	seq.s32 s10, $0x1;
	s10 =	sld [smem:$0x3FAC]  }
0x3d: {  	_ =	shalt  }
0x3e: {  	_ =	shalt  }
0x3f: {  	_ =	shalt  }
0x40: {  	_ =	shalt  }
0x41: {  	_ =	shalt  }
0x42: {  	_ =	shalt  }
0x43: {  	_ =	shalt  }
0x44: {  	_ =	shalt  }
0x45: {  	_ =	shalt  }
0x46: {  	_ =	shalt  }
0x47: {  	_ =	shalt  }
0x48: {  	_ =	shalt  }
0x49: {  	_ =	shalt  }
0x4a: {  	_ =	shalt  }
0x4b: {  	_ =	shalt  }
0x4c: {  	_ =	shalt  }
0x4d: {  	_ =	shalt  }
0x4e: {  	_ =	shalt  }
0x4f: {  	_ =	shalt  }
0x50: {  	_ =	shalt  }
0x51: {  	_ =	shalt  }
0x52: {  	_ =	shalt  }
0x53: {  	_ =	shalt  }
0x54: {  	_ =	shalt  }
0x55: {  	_ =	shalt  }
0x56: {  	_ =	shalt  }
0x57: {  	_ =	shalt  }
0x58: {  	_ =	shalt  }
0x59: {  	_ =	shalt  }
0x5a: {  	_ =	shalt  }
0x5b: {  	_ =	shalt  }
0x5c: {  	_ =	shalt  }
0x5d: {  	_ =	shalt  }
0x5e: {  	_ =	shalt  }
0x5f: {  	_ =	shalt  }
0x60: {  	_ =	shalt  }
0x61: {  	_ =	shalt  }
0x62: {  	_ =	shalt  }
0x63: {  	_ =	shalt  }
0x64: {  	_ =	shalt  }
0x65: {  	_ =	shalt  }
0x66: {  	_ =	shalt  }
0x67: {  	_ =	shalt  }
0x68: {  	_ =	shalt  }
0x69: {  	_ =	shalt  }
0x6a: {  	_ =	shalt  }
0x6b: {  	_ =	shalt  }
0x6c: {  	_ =	shalt  }
0x6d: {  	_ =	shalt  }
0x6e: {  	_ =	shalt  }
0x6f: {  	_ =	shalt  }
0x70: {  	_ =	shalt  }
0x71: {  	_ =	shalt  }
0x72: {  	_ =	shalt  }
0x73: {  	_ =	shalt  }
0x74: {  	_ =	shalt  }
0x75: {  	_ =	shalt  }
0x76: {  	_ =	shalt  }
0x77: {  	_ =	shalt  }
0x78: {  	_ =	shalt  }
0x79: {  	_ =	shalt  }
0x7a: {  	_ =	shalt  }
0x7b: {  	_ =	shalt  }
0x7c: {  	_ =	shalt  }
0x7d: {  	_ =	shalt  }
0x7e: {  	_ =	shalt  }
0x7f: {  	_ =	shalt  }
0x80: {  	_ =	shalt  }
0x81: {  	_ =	shalt  }
0x82: {  	_ =	shalt  }
0x83: {  	_ =	shalt  }
0x84: {  	_ =	shalt  }
0x85: {  	_ =	shalt  }
0x86: {  	_ =	shalt  }
0x87: {  	_ =	shalt  }
.Lfunc_end0:
.L_simem_size_0:
called_computation.1_lowered:
.L_overlay_start_0:
0x88: {  	s2 =	sld [smem:$0x3FD9]  }
0x89: {  	s3 =	sld [smem:$0x3FFE];
	_ =	sdelay $0x1  }
0x8a: {  	s1 =	srdreg.scid  }
0x8b: {  	s0 =	sand.u32 $0x1, s1  }
0x8c: {  	s14 =	sshll.u32 s0, $0xA;
	s2 =	sadd.s32 s3, s2  }
0x8d: {  	s2 =	sadd.s32 s2, s14  }
0x8e: {  	[smem:$0x3FB8] =	sst s2  }
0x8f: {  	_ = 	snop  }
0x90: {  	s2 =	sld [smem:$0x3FD0];
	_ =	sdelay $0x1  }
0x91: {  	s15 =	sld [smem:$0x3FC6]  }
0x92: {  	s5 =	simm.s32 $0xA;
	s6 =	simm.s32 $0x10;
	s4 =	sld [smem:$0x3FC5]  }
0x93: {  	[smem:s6], [sflag:s5] =	dma.local [hbm:s2], $0x1  }
0x94: {  	_ =	swait.eq [sflag:s5], $0x1  }
0x95: {  	[sflag:s5] =	ssyncset.done $0x0  }
0x96: {  	[sflag:s5] =	ssyncadd.s32 $0xFFFFFFFF  }
0x97: {  	s16 =	sld [smem:$0x11];
	(tm) =	ssettm $0x1  }
0x98: {  	s17 =	sld [smem:$0x3FFB];
	_ =	sdelay $0x3  }
0x99: {  	_ =	strace s17  }
0x9a: {  	s5 =	sld [smem:$0x3FFC];
	_ =	sdelay $0x3  }
0x9b: {  	_ =	strace s5  }
0x9c: {  	s5 =	sld [smem:$0x3FFD];
	_ =	sdelay $0x3  }
0x9d: {  	_ =	strace s5  }
0x9e: {  	_ =	strace $0x8FFFFFFF  }
0x9f: {  	s18 =	sld [smem:$0x3FDB];
	_ =	sdelay $0x1  }
0xa0: {  	s19 =	simm.s32 $_scs_section_size  }
0xa1: {  	s7 =	simm.s32 $_size__tile_overlayer_lowered;
	s8 =	simm.s32 $_tile_overlayer_lowered  }
0xa2: {  	s22 =	simm.s32 $0x1BFF;
	s21 =	sshll.u32 s8, $0x1;
	s5 =	sadd.s32 s19, s18  }
0xa3: {  	s9 =	simm.s32 $0x0;
	s20 =	sshll.u32 s7, $0x1;
	s7 =	sadd.s32 s21, s5  }
0xa4: {  	[timem:s9], [sflag:s22] =	dma.local [hbm:s7], s20  }
0xa5: {  	_ =	swait.ge [sflag:s22], s20  }
0xa6: {  	s6 =	ssub.s32 $0x0, s20;
	[sflag:s22] =	ssyncset.done $0x0  }
0xa7: {  	[sflag:s22] =	ssyncadd.s32 s6;
	_ =	sdelay $0x1  }
0xa8: {  	s23 =	simm.s32 $0x1B8B  }
0xa9: {  	_ =	swait.ge [sflag:s23], $0x1  }
0xaa: {  	[sflag:s23] =	ssyncset.done $0x0  }
0xab: {  	s25 =	simm.s32 $0x1B8E;
	s24 =	sld [smem:$0x3FFE];
	[sflag:s23] =	ssyncadd.s32 $0xFFFFFFFF  }
0xac: {  	s26 =	simm.s32 $execute0_lowered;
	[smem:$0x3FD2] =	sst s25  }
0xad: {  	s7 =	sshll.u32 s26, $0x1;
	_ =	strace $0x80000049;
	[dreg:$0x1] =	wrdreg $0xFFFFFFFF  }
0xae: {  	s28 =	simm.s32 $_size_execute0_lowered;
	s5 =	sadd.s32 s5, s7;
	[dreg:$0x0] =	wrdreg $0x0  }
0xaf: {  	s7 =	sshll.u32 s28, $0x1;
	[dreg:$0x2] =	wrdreg s5  }
0xb0: {  	[dreg:$0x3] =	wrdreg s7  }
0xb1: {  	[dreg:$0x4] =	wrdreg $0xC0  }
0xb2: {  	_ =	task [dreg:s9], $0x5FFFF  }
0xb3: {  	[dreg:$0x1] =	wrdreg $0xFFFFFFFF  }
0xb4: {  	[dreg:$0x0] =	wrdreg $0x60  }
0xb5: {  	[dreg:$0x2] =	wrdreg s16  }
0xb6: {  	[dreg:$0x3] =	wrdreg s24  }
0xb7: {  	[dreg:$0x4] =	wrdreg s15  }
0xb8: {  	[dreg:$0x5] =	wrdreg s4  }
0xb9: {  	[dreg:$0x6] =	wrdreg $0x0  }
0xba: {  	[dreg:$0x7] =	wrdreg $0x9  }
0xbb: {  	_ =	task.clear_ibuf [dreg:s9], $0x8FFFF;
	_ =	strace $0x90000049  }
0xbc: {  	s29 =	simm.s32 $0x9;
	_ =	strace $0x8000004B  }
0xbd: {  	_ =	swait.ge [sflag:s29], $0x1  }
0xbe: {  	[sflag:s29] =	ssyncadd.s32 $0xFFFFFFFF  }
0xbf: {  	_ =	strace $0x9000004B  }
0xc0: {  	_ =	sfence  }
0xc1: {  	s30 =	sld [smem:$0x0];
	_ =	sdelay $0x2  }
0xc2: {  	s31 =	sshll.u32 s1, $0xD;
	s1 =	sshrl.u32 s1, $0x2  }
0xc3: {  	s3 =	sand.u32 $0x4000, s31;
	s1 =	sadd.s32 s1, s30  }
0xc4: {  	s0 =	sor.u32 s3, s0;
	s1 =	sshll.u32 s1, $0x11  }
0xc5: {  	s0 =	sor.u32 s1, s0  }
0xc6: {  	s0 =	sadd.s32 $0x8F2B, s0  }
0xc7: {  	[sflag:s0] =	ssyncadd.remote.s32 $0x1  }
0xc8: {  	_ =	sfence.sel $0xFFFF  }
0xc9: {  	[dreg:$0x0] =	wrdreg $0xFFFFFFFF;
	(pc) =	sbr.abs _section_cstart, $3  }
0xca: {  	[dreg:$0x1] =	wrdreg $0xFFFFFFFF  }
0xcb: {  	_ =	task.clear_ibuf [dreg:s9], $0x2FFFF;
	_ =	strace $0x9FFFFFFF  }
0xcc: {  	(tm) =	ssettm $0x7FFFFFFF  }
0xcd: {  	_ =	shalt  }
tec
execute0_lowered:
.L_overlay_start_1:
0x0: {  	(tag) =	ssettag $0x1  }
0x1: {  	s1 =	rddreg [dreg:$0x0]  }
0x2: {  	s0 =	rddreg [dreg:$0x1]  }
0x3: {  	s5 =	rddreg [dreg:$0x4];
	s6 =	simm.s32 $0x0  }
0x4: {  	s16 =	stileid.u32;
	s3 =	srdreg.scid;
	s17 =	simm.s32 $0x2  }
0x5: {  	s22 =	simm.s32 $0x16080;
	s23 =	simm.s32 $0x16100;
	s28 =	simm.s32 $0x1  }
0x6: {  	s29 =	simm.s32 $0x0;
	[smem:$0x7FF] =	sst s6;
	s2 =	smul.u32 $0x13800, s16  }
0x7: {  	s7 =	sadd.s32 $0x15200, s0;
	s8 =	sadd.s32 $0xB400, s0;
	s3 =	sand.u32 $0x1, s3  }
0x8: {  	s9 =	sadd.s32 $0x1600, s0;
	s12 =	smul.u32 $0x4E000, s16;
	s13 =	sadd.s32 $0x46200, s0  }
0x9: {  	s24 =	sshll.u32 s16, $0x1;
	p0 =	sne.s32 s16, $0xF;
	s31 =	sshll.u32 s16, $0x6  }
0xa: {  	_ =	strace $0x8000004A;
	s10 =	ssub.s32 $0x2, s3;
	s14 =	sor.u32 s3, s24  }
0xb: {  	s3 =	smul.u32 $0x138800, s3;
	s19 =	sor.u32 $0x1C02, s31;
	s24 =	simm.s32 $0x16180  }
0xc: {  	s4 =	sshrl.u32 s2, $0x3;
	s11 =	sshrl.u32 s10, $0x1;
	s25 =	sshrl.u32 s12, $0x2  }
0xd: {  	s12 =	smul.u32 $0x2710, s14;
	s4 =	sadd.s32 s4, s0;
	s15 =	ssub.s32 s10, s11  }
0xe: {  	s20 =	sadd.s32 s25, s5;
	s11 =	sadd.s32 $0x46000, s0;
	s26 =	sadd.s32 s2, s3  }
0xf: {  	s30 =	sshrl.u32 s3, $0x3;
	s25 =	simm.s32 $0x50;
	s10 =	sadd.s32 $0x1F000, s4  }
0x10: {  	s4 =	sadd.s32 $0x138000, s5;
	s0 =	sshrl.u32 s26, $0x3;
	s2 =	sadd.s32 s13, s30  }
0x11: {  	s15 =	smax.u32 s15, $0x1;
	s20 =	sshrl.u32 s20, $0x3;
	s26 =	simm.s32 $0x13880  }
0x12: {  	s13 =	sadd.s32 s13, s0;
	s14 =	sadd.s32 $0x27000, s2;
	s21 =	sshrl.u32 @!p0 s4, $0x3  }
.LBB2_1:
0x13: {  	s0 =	rddreg [dreg:$0x2];
	s2 =	simm.s32 $0x16200  }
0x14: {  	[tilespmem:s2], [sflag:$0x2] =	stream.linear.gather [hbm4b:s0+s6], $0x80, $0x38;
	[tilespmem:$0x16300] =	vst v63  }
0x15: {  	_ =	swait.ge [sflag:s17], $0x80  }
0x16: {  	[sflag:s17] =	ssyncset.done $0x0  }
0x17: {  	[sflag:s17] =	ssyncadd.s32 $0xFFFFFF80  }
0x18: {  	s31 =	simm.s32 $0x16280;
	s18 =	rddreg [dreg:$0x3]  }
0x19: {  	[tilespmem:s31], [sflag:$0x2] =	stream.linear.gather [hbm4b:s18+s6], $0x80, $0x38;
	[tilespmem:$0x16300] =	vst v63  }
0x1a: {  	_ =	swait.ge [sflag:s17], $0x80  }
0x1b: {  	[sflag:s17] =	ssyncset.done $0x0  }
0x1c: {  	[sflag:s17] =	ssyncadd.s32 $0xFFFFFF80  }
0x1d: {  	[spmem:s20], [sflag:s19] =	dma.local [hbm:s10], $0x2700  }
0x1e: {  	_ =	swait.ge [sflag:s17], $0x2700  }
0x1f: {  	[sflag:s17] =	ssyncset.done $0x0  }
0x20: {  	s0 =	simm.s32 @!p0 $0x2;
	[sflag:s17] =	ssyncadd.s32 $0xFFFFD900  }
0x21: {  	[spmem:s21], [sflag:s19] =	dma.local @!p0 [hbm:s11], $0x100  }
0x22: {  	_ =	swait.ge @!p0 [sflag:s0], $0x100  }
0x23: {  	[sflag:s0] =	ssyncset.done @!p0 $0x0  }
0x24: {  	[sflag:s0] =	ssyncadd.s32 @!p0 $0xFFFFFF00  }
0x25: {  	[bflag:$0x0] =	sbarrier.arrive $0xFFFF  }
0x26: {  	v0 =	vld [tilespmem:$0x16200]  }
0x27: {  	v1 =	vld [tilespmem:$0x16210]  }
0x28: {  	v2 =	vld [tilespmem:$0x16220]  }
0x29: {  	v3 =	vld [tilespmem:$0x16230]  }
0x2a: {  	v4 =	vld [tilespmem:$0x16240]  }
0x2b: {  	v5 =	vld [tilespmem:$0x16250]  }
0x2c: {  	v6 =	vld [tilespmem:$0x16260]  }
0x2d: {  	v7 =	vld [tilespmem:$0x16270]  }
0x2e: {  	v8 =	vld [tilespmem:$0x16280]  }
0x2f: {  	v9 =	vld [tilespmem:$0x16290]  }
0x30: {  	v10 =	vld [tilespmem:$0x162A0]  }
0x31: {  	v11 =	vld [tilespmem:$0x162B0]  }
0x32: {  	v12 =	vld [tilespmem:$0x162C0]  }
0x33: {  	v13 =	vld [tilespmem:$0x162D0]  }
0x34: {  	v14 =	vld [tilespmem:$0x162E0]  }
0x35: {  	s30 =	simm.s32 $0x0;
	v15 =	vld [tilespmem:$0x162F0]  }
.LBB2_2:
0x36: {  	s0 =	smul.u32 $0x50, s30;
	_ =	sdelay $0x1  }
0x37: {  	s0 =	sadd.s32 s12, s0  }
0x38: {  	s0 =	sshrl.u32 s0, $0x3  }
0x39: {  	s3 =	simm.s32 $0x0;
	s2 =	sadd.s32 s7, s0  }
0x3a: {  	[tilespmem:s22], [sflag:$0x2] =	stream.linear.gather [hbm4b:s2+s3], $0x50, $0x38;
	[tilespmem:$0x16300] =	vst v63  }
0x3b: {  	_ =	swait.ge [sflag:s17], $0x50  }
0x3c: {  	[sflag:s17] =	ssyncset.done $0x0  }
0x3d: {  	s18 =	sadd.s32 s8, s0;
	[sflag:s17] =	ssyncadd.s32 $0xFFFFFFB0  }
0x3e: {  	[tilespmem:s23], [sflag:$0x2] =	stream.linear.gather [hbm4b:s18+s3], $0x50, $0x38;
	[tilespmem:$0x16300] =	vst v63  }
0x3f: {  	_ =	swait.ge [sflag:s17], $0x50  }
0x40: {  	[sflag:s17] =	ssyncset.done $0x0  }
0x41: {  	s4 =	simm.s32 $0x1;
	s0 =	sadd.s32 s9, s0;
	[sflag:s17] =	ssyncadd.s32 $0xFFFFFFB0  }
0x42: {  	v16 =	vmov s4;
	[tilespmem:s24], [sflag:$0x2] =	stream.linear.gather [hbm4b:s0+s3], $0x50, $0x38;
	[tilespmem:$0x16300] =	vst v63  }
0x43: {  	s16 =	simm.s32 $0x2;
	v16 =	vand.u32 $0xFFFFFFFD, v16;
	_ =	swait.ge [sflag:s17], $0x50  }
0x44: {  	v17 =	vmov s16;
	v16 =	vbroadcast v16, $0x0;
	[sflag:s17] =	ssyncset.done $0x0  }
0x45: {  	v17 =	vand.u32 $0xFFFFFFFE, v17;
	s18 =	simm.s32 $0x3;
	[sflag:s17] =	ssyncadd.s32 $0xFFFFFFB0  }
0x46: {  	v17 =	vbroadcast v17, $0x0;
	v18 =	vmov s18;
	[tilespmem:s26], [sflag:$0x1] =	stream.indirect.gather [hbm4b:s1+s25], $0x80, s22, s25, $0xb8;
	[tilespmem:$0x16300] =	vst v63  }
0x47: {  	_ =	swait.ge [sflag:s28], $0x2800  }
0x48: {  	[sflag:s28] =	ssyncset.done $0x0  }
0x49: {  	[sflag:s28] =	ssyncadd.s32 $0xFFFFD800  }
0x4a: {  	v22 =	vld.idx.msk [tilespmem:v16+s24+$0x0], $0xffff  }
0x4b: {  	v16 =	vld.idx.msk [tilespmem:v18+s24+$0x0], $0xffff  }
0x4c: {  	s31 =	simm.s32 $0x13980;
	v17 =	vld.idx.msk [tilespmem:v17+s24+$0x0], $0xffff  }
0x4d: {  	v19 =	vld [tilespmem:s31+$0xFFFFFFA0]  }
0x4e: {  	v40 =	vmov s3;
	v18 =	vld [tilespmem:s31+$0xFFFFFFD0]  }
0x4f: {  	v40 =	vand.u32 $0xFFFFFFFC, v40;
	v20 =	vld [tilespmem:s31+$0xFFFFFF90]  }
0x50: {  	v40 =	vbroadcast v40, $0x0;
	v21 =	vld [tilespmem:s31+$0x40];
	v23 =	vmul.f32 v22, v1  }
0x51: {  	v26 =	vld [tilespmem:s31+$0x30];
	v24 =	vmul.f32 v22, v3;
	v25 =	vmul.f32 v22, v5  }
0x52: {  	v36 =	vld [tilespmem:s31+$0xF0];
	v27 =	vmul.f32 v16, v7;
	v29 =	vmul.f32 v22, v2  }
0x53: {  	v42 =	vld [tilespmem:s31+$0xFFFFFFB0];
	v30 =	vmul.f32 v17, v4;
	v32 =	vmul.f32 v17, v0  }
0x54: {  	v33 =	vld [tilespmem:s31+$0xFFFFFFE0];
	v35 =	vmul.f32 v17, v6;
	v37 =	vmul.f32 v22, v7  }
0x55: {  	v31 =	vld [tilespmem:s31+$0xE0];
	v38 =	vmul.f32 v16, v1;
	v41 =	vmul.f32 v17, v3;
	v25 =	vadd.f32 v18, v25  }
0x56: {  	v28 =	vld [tilespmem:s31+$0x50];
	v43 =	vmul.f32 v17, v1;
	v34 =	vadd.f32 v20, v23;
	v21 =	vadd.f32 v21, v30  }
0x57: {  	v40 =	vld.idx.msk [tilespmem:v40+s24+$0x0], $0xffff;
	v20 =	vmul.f32 v22, v6;
	v19 =	vadd.f32 v19, v29;
	v27 =	vadd.f32 v36, v27  }
0x58: {  	v39 =	vld [tilespmem:s31+$0xA0];
	v30 =	vmul.f32 v16, v6;
	v24 =	vadd.f32 v42, v24;
	v25 =	vadd.f32 v25, v13  }
0x59: {  	v44 =	vmul.f32 v16, v2;
	v23 =	vld [tilespmem:s31+$0xFFFFFFF0];
	v21 =	vadd.f32 v21, v12;
	v20 =	vadd.f32 v33, v20  }
0x5a: {  	v61 =	vld [tilespmem:s31+$0x10];
	v56 =	vmul.f32 v16, v0;
	v31 =	vadd.f32 v31, v30;
	v60 =	vadd.f32 v19, v10  }
0x5b: {  	v18 =	vmul.f32 v22, v0;
	v29 =	vld [tilespmem:s31+$0x90];
	v54 =	vadd.f32 v27, v15;
	v24 =	vadd.f32 v24, v11  }
0x5c: {  	v30 =	vld [tilespmem:s31+$0x0];
	v33 =	vmul.f32 v40, v2;
	v25 =	vmax.f32 v25, $0.0e+00;
	v21 =	vmax.f32 v21, $0.0e+00  }
0x5d: {  	v62 =	vld [tilespmem:s31+$0x60];
	v20 =	vadd.f32 v20, v14;
	v52 =	vmax.f32 v60, $0.0e+00;
	v60 =	vmul.f32 v40, v0  }
0x5e: {  	v45 =	vld [tilespmem:s31+$0xFFFFFFC0];
	v19 =	vadd.f32 v23, v37;
	v23 =	vmul.f32 v17, v7;
	[tilespmem:s31+$0x40] =	vst v21;
	v21 =	vmul.f32 v17, v5  }
0x5f: {  	v57 =	vld [tilespmem:s31+$0xFFFFFF00];
	v31 =	vadd.f32 v31, v14;
	v17 =	vmul.f32 v17, v2;
	v37 =	vmul.f32 v40, v6  }
0x60: {  	v47 =	vld [tilespmem:s31+$0xFFFFFF10];
	v63 =	vmax.f32 v20, $0.0e+00;
	v20 =	vadd.f32 v29, v38;
	v19 =	vadd.f32 v19, v15  }
0x61: {  	v50 =	vld [tilespmem:s31+$0xFFFFFF50];
	v29 =	vadd.f32 v32, v30;
	v21 =	vadd.f32 v28, v21;
	v28 =	vmul.f32 v22, v4  }
0x62: {  	[tilespmem:s31+$0xFFFFFFD0] =	vst v25;
	v25 =	vld [tilespmem:s31+$0x70];
	v30 =	vadd.f32 v61, v43;
	v22 =	vadd.f32 v62, v35;
	v61 =	vmul.f32 v40, v1  }
0x63: {  	v53 =	vld [tilespmem:s31+$0xD0];
	v62 =	vmul.f32 v40, v5;
	v46 =	vmax.f32 v19, $0.0e+00;
	v19 =	vadd.f32 v39, v44  }
0x64: {  	v55 =	vld [tilespmem:s31+$0x20];
	v35 =	vmul.f32 v40, v4;
	v27 =	vadd.f32 v29, v8;
	v30 =	vadd.f32 v30, v9  }
0x65: {  	v48 =	vld [tilespmem:s31+$0x80];
	[tilespmem:s31+$0xFFFFFFE0] =	vst v63;
	v63 =	vmax.f32 v54, $0.0e+00;
	v28 =	vadd.f32 v45, v28;
	v39 =	vadd.f32 v60, v57  }
0x66: {  	v49 =	vld [tilespmem:s31+$0xFFFFFF30];
	v29 =	vmul.f32 v16, v5;
	v47 =	vadd.f32 v47, v61;
	v43 =	vadd.f32 v50, v62  }
0x67: {  	v36 =	vld [tilespmem:s31+$0xFFFFFF40];
	[tilespmem:s31+$0xFFFFFFA0] =	vst v52;
	v23 =	vadd.f32 v25, v23;
	v25 =	vadd.f32 v34, v9;
	v58 =	vmax.f32 v27, $0.0e+00  }
0x68: {  	v38 =	vld [tilespmem:s31+$0xFFFFFF20];
	[tilespmem:s31+$0xF0] =	vst v63;
	v59 =	vmax.f32 v30, $0.0e+00;
	v30 =	vadd.f32 v26, v41;
	v26 =	vadd.f32 v53, v29  }
0x69: {  	[tilespmem:s31+$0xFFFFFFF0] =	vst v46;
	v27 =	vadd.f32 v55, v17;
	v29 =	vadd.f32 v28, v12;
	v28 =	vmul.f32 v40, v3;
	v41 =	vld [tilespmem:s31+$0xFFFFFF70]  }
0x6a: {  	v42 =	vld [tilespmem:s31+$0xFFFFFF60];
	v34 =	vmul.f32 v40, v7;
	v40 =	vadd.f32 v47, v9;
	[tilespmem:s31+$0x0] =	vst v58;
	v32 =	vadd.f32 v30, v11  }
0x6b: {  	s4 =	simm.s32 $0x4;
	s0 =	simm.s32 $0x13B80;
	v17 =	vld [tilespmem:s31+$0xB0];
	[tilespmem:s31+$0x10] =	vst v59;
	v30 =	vadd.f32 v56, v48;
	v44 =	vadd.f32 v49, v28;
	v28 =	vmul.f32 v16, v3  }
.LBB2_3:
0x6c: {  	s16 =	sadd.s32 $0x1, s4  }
0x6d: {  	s18 =	sadd.s32 $0x2, s4;
	v33 =	vadd.f32 v38, v33;
	v38 =	vadd.f32 v44, v11;
	v44 =	vmul.f32 v16, v4;
	s2 =	smov.u32 s4;
	s3 =	sadd.s32 $0x4, s4  }
0x6e: {  	p1 =	slt.u32 s4, $0x4C;
	v16 =	vmov s16;
	v45 =	vmov s18;
	v34 =	vadd.f32 v41, v34  }
0x6f: {  	v39 =	vadd.f32 v39, v8;
	v38 =	vmax.f32 v38, $0.0e+00;
	v35 =	vadd.f32 v36, v35  }
0x70: {  	v16 =	vand.u32 $0xFFFFFFFD, v16;
	v36 =	vadd.f32 v43, v13;
	[tilespmem:s31+$0xFFFFFF30] =	vst v38;
	v37 =	vadd.f32 v42, v37;
	v38 =	vld [tilespmem:s31+$0xFFFFFF80]  }
0x71: {  	v40 =	vmax.f32 v40, $0.0e+00;
	v39 =	vmax.f32 v39, $0.0e+00;
	v34 =	vadd.f32 v34, v15  }
0x72: {  	v16 =	vbroadcast v16, $0x0;
	v36 =	vmax.f32 v36, $0.0e+00;
	[tilespmem:s31+$0xFFFFFF00] =	vst v39;
	v37 =	vadd.f32 v37, v14  }
0x73: {  	s4 =	sadd.s32 $0x3, s2;
	v33 =	vadd.f32 v33, v10;
	v39 =	vand.u32 $0xFFFFFFFE, v45;
	v34 =	vmax.f32 v34, $0.0e+00;
	[tilespmem:s31+$0xFFFFFF50] =	vst v36  }
0x74: {  	v36 =	vbroadcast v39, $0x0;
	v39 =	vmov s4;
	v37 =	vmax.f32 v37, $0.0e+00;
	[tilespmem:s31+$0xFFFFFF70] =	vst v34  }
0x75: {  	v22 =	vadd.f32 v22, v14;
	v33 =	vmax.f32 v33, $0.0e+00;
	[tilespmem:s31+$0xFFFFFF10] =	vst v40;
	v18 =	vadd.f32 v18, v38  }
0x76: {  	v32 =	vmax.f32 v32, $0.0e+00;
	v21 =	vadd.f32 v21, v13;
	v20 =	vadd.f32 v20, v9;
	[tilespmem:s31+$0xFFFFFF60] =	vst v37  }
0x77: {  	v23 =	vadd.f32 v23, v15;
	v18 =	vadd.f32 v18, v8;
	[tilespmem:s31+$0x30] =	vst v32;
	v32 =	vmax.f32 v22, $0.0e+00;
	v34 =	vld [tilespmem:s31+$0xC0]  }
0x78: {  	v31 =	vmax.f32 v31, $0.0e+00;
	v21 =	vmax.f32 v21, $0.0e+00;
	v20 =	vmax.f32 v20, $0.0e+00;
	v22 =	vld.idx.msk [tilespmem:v16+s24+$0x0], $0xffff;
	[tilespmem:s31+$0xFFFFFF20] =	vst v33  }
0x79: {  	v25 =	vmax.f32 v25, $0.0e+00;
	v29 =	vmax.f32 v29, $0.0e+00;
	v23 =	vmax.f32 v23, $0.0e+00;
	v16 =	vld.idx.msk [tilespmem:v39+s24+$0x0], $0xffff;
	[tilespmem:s31+$0xE0] =	vst v31  }
0x7a: {  	v24 =	vmax.f32 v24, $0.0e+00;
	v19 =	vadd.f32 v19, v10;
	v31 =	vld.idx.msk [tilespmem:v36+s24+$0x0], $0xffff;
	[tilespmem:s31+$0xFFFFFF90] =	vst v25;
	v25 =	vadd.f32 v26, v13  }
0x7b: {  	v33 =	vadd.f32 v35, v12;
	v18 =	vmax.f32 v18, $0.0e+00;
	v26 =	vld [tilespmem:s0+$0xFFFFFFA0];
	[tilespmem:s31+$0xFFFFFFB0] =	vst v24;
	v24 =	vadd.f32 v27, v10  }
0x7c: {  	v19 =	vmax.f32 v19, $0.0e+00;
	v27 =	vld [tilespmem:s0+$0xFFFFFFD0];
	[tilespmem:s31+$0xFFFFFF80] =	vst v18;
	v18 =	vadd.f32 v30, v8;
	v25 =	vmax.f32 v25, $0.0e+00  }
0x7d: {  	v33 =	vmax.f32 v33, $0.0e+00;
	v30 =	vld [tilespmem:s0+$0xFFFFFF90];
	[tilespmem:s31+$0xFFFFFFC0] =	vst v29;
	v24 =	vmax.f32 v24, $0.0e+00;
	v29 =	vadd.f32 v34, v44  }
0x7e: {  	v34 =	vmul.f32 v22, v1;
	v35 =	vmul.f32 v22, v3;
	v36 =	vld [tilespmem:s0+$0x40];
	[tilespmem:s31+$0xFFFFFF40] =	vst v33;
	v18 =	vmax.f32 v18, $0.0e+00  }
0x7f: {  	v33 =	vmul.f32 v22, v5;
	v38 =	vmul.f32 v16, v7;
	v37 =	vld [tilespmem:s0+$0x30];
	[tilespmem:s31+$0x80] =	vst v18;
	v18 =	vadd.f32 v29, v12  }
0x80: {  	v29 =	vmul.f32 v22, v2;
	v39 =	vmul.f32 v31, v0;
	v40 =	vld [tilespmem:s0+$0x50];
	[tilespmem:s31+$0x20] =	vst v24;
	v24 =	vadd.f32 v17, v28  }
0x81: {  	v28 =	vmul.f32 v31, v4;
	v27 =	vadd.f32 v27, v33;
	v33 =	vld [tilespmem:s0+$0xE0];
	v41 =	vmax.f32 v18, $0.0e+00;
	[tilespmem:s31+$0xD0] =	vst v25  }
0x82: {  	v18 =	vmul.f32 v22, v0;
	v25 =	vadd.f32 v30, v34;
	v17 =	vld [tilespmem:s0+$0xB0];
	v24 =	vadd.f32 v24, v11;
	[tilespmem:s31+$0xC0] =	vst v41  }
0x83: {  	v34 =	vmul.f32 v22, v6;
	v30 =	vld [tilespmem:s0+$0xFFFFFFE0];
	v28 =	vadd.f32 v36, v28;
	v36 =	vmul.f32 v16, v6;
	[tilespmem:s31+$0x50] =	vst v21  }
0x84: {  	v41 =	vmul.f32 v31, v6;
	v21 =	vadd.f32 v27, v13;
	v27 =	vld [tilespmem:s0+$0xFFFFFFF0];
	[tilespmem:s31+$0xA0] =	vst v19;
	v19 =	vmax.f32 v24, $0.0e+00  }
0x85: {  	v42 =	vmul.f32 v16, v1;
	v24 =	vmul.f32 v22, v7;
	v28 =	vadd.f32 v28, v12;
	v43 =	vld [tilespmem:s0+$0xF0];
	[tilespmem:s31+$0xB0] =	vst v19  }
0x86: {  	v44 =	vmul.f32 v31, v3;
	v19 =	vmov s2;
	v21 =	vmax.f32 v21, $0.0e+00;
	v45 =	vld [tilespmem:s0+$0xA0];
	[tilespmem:s31+$0x70] =	vst v23  }
0x87: {  	v19 =	vand.u32 $0xFFFFFFFC, v19;
	v23 =	vadd.f32 v26, v29;
	v26 =	vld [tilespmem:s0+$0xFFFFFFB0];
	v28 =	vmax.f32 v28, $0.0e+00;
	[tilespmem:s31+$0x90] =	vst v20  }
0x88: {  	v46 =	vadd.f32 v33, v36;
	v29 =	vbroadcast v19, $0x0;
	v19 =	vadd.f32 v30, v34;
	v20 =	vld [tilespmem:s0+$0x90];
	[tilespmem:s31+$0x60] =	vst v32;
	s31 =	smov.u32 s0  }
0x89: {  	v23 =	vadd.f32 v23, v10;
	[tilespmem:s0+$0xFFFFFFD0] =	vst v21;
	v21 =	vadd.f32 v27, v24;
	v24 =	vld [tilespmem:s0+$0x0];
	v27 =	vmul.f32 v31, v7  }
0x8a: {  	v32 =	vmul.f32 v31, v1;
	v19 =	vadd.f32 v19, v14;
	v30 =	vld [tilespmem:s0+$0x10];
	[tilespmem:s0+$0x40] =	vst v28;
	v28 =	vadd.f32 v43, v38  }
0x8b: {  	v33 =	vmul.f32 v31, v5;
	v36 =	vmul.f32 v16, v2;
	v21 =	vadd.f32 v21, v15;
	v34 =	vld [tilespmem:s0+$0x60]  }
0x8c: {  	v31 =	vmul.f32 v31, v2;
	v26 =	vadd.f32 v26, v35;
	v19 =	vmax.f32 v19, $0.0e+00;
	v35 =	vld [tilespmem:s0+$0x70]  }
0x8d: {  	v38 =	vld [tilespmem:s0+$0xFFFFFFC0];
	[tilespmem:s0+$0xFFFFFFE0] =	vst v19;
	v21 =	vmax.f32 v21, $0.0e+00;
	v20 =	vadd.f32 v20, v42;
	v19 =	vadd.f32 v45, v36  }
0x8e: {  	v23 =	vmax.f32 v23, $0.0e+00;
	v42 =	vld.idx.msk [tilespmem:v29+s24+$0x0], $0xffff;
	[tilespmem:s0+$0xFFFFFFF0] =	vst v21;
	v24 =	vadd.f32 v39, v24;
	v21 =	vadd.f32 v40, v33  }
0x8f: {  	v28 =	vadd.f32 v28, v15;
	v29 =	vmul.f32 v22, v4;
	[tilespmem:s0+$0xFFFFFFA0] =	vst v23;
	v23 =	vadd.f32 v30, v32;
	v30 =	vld [tilespmem:s0+$0xD0]  }
0x90: {  	v36 =	vmul.f32 v16, v5;
	v32 =	vadd.f32 v24, v8;
	v22 =	vadd.f32 v34, v41;
	v40 =	vld [tilespmem:s0+$0x80]  }
0x91: {  	v43 =	vmul.f32 v16, v0;
	v33 =	vadd.f32 v23, v9;
	v39 =	vld [tilespmem:s0+$0x20];
	v23 =	vadd.f32 v35, v27  }
0x92: {  	v25 =	vadd.f32 v25, v9;
	v24 =	vadd.f32 v26, v11;
	v35 =	vld [tilespmem:s0+$0xFFFFFF00];
	v26 =	vmax.f32 v32, $0.0e+00  }
0x93: {  	v27 =	vadd.f32 v38, v29;
	v32 =	vadd.f32 v37, v44;
	v45 =	vld [tilespmem:s0+$0xFFFFFF10];
	[tilespmem:s0+$0x0] =	vst v26;
	v26 =	vmax.f32 v33, $0.0e+00  }
0x94: {  	v33 =	vmul.f32 v42, v2;
	v34 =	vmul.f32 v42, v7;
	v44 =	vld [tilespmem:s0+$0xFFFFFF30];
	[tilespmem:s0+$0x10] =	vst v26;
	v26 =	vadd.f32 v30, v36  }
0x95: {  	v48 =	vmul.f32 v42, v5;
	v30 =	vmul.f32 v42, v0;
	v29 =	vadd.f32 v27, v12;
	v47 =	vld [tilespmem:s0+$0xFFFFFF50]  }
.Ltmp0:
0x96: {  	v49 =	vmul.f32 v42, v3;
	v36 =	vmul.f32 v42, v1;
	v38 =	vld [tilespmem:s0+$0xFFFFFF20];
	v27 =	vadd.f32 v39, v31;
	(pc) =	sbr.rel @p1 .LBB2_3-.Ltmp0, $4  }
0x97: {  	v37 =	vmul.f32 v42, v6;
	v32 =	vadd.f32 v32, v11;
	v39 =	vadd.f32 v30, v35;
	v41 =	vld [tilespmem:s0+$0xFFFFFF70]  }
0x98: {  	v35 =	vmul.f32 v42, v4;
	v30 =	vadd.f32 v43, v40;
	v45 =	vadd.f32 v45, v36;
	v36 =	vld [tilespmem:s0+$0xFFFFFF40]  }
0x99: {  	v31 =	vadd.f32 v46, v14;
	v46 =	vmax.f32 v28, $0.0e+00;
	v44 =	vadd.f32 v44, v49;
	v42 =	vld [tilespmem:s0+$0xFFFFFF60]  }
0x9a: {  	s4 =	smov.u32 s3;
	v28 =	vmul.f32 v16, v3;
	s0 =	sadd.s32 $0x200, s0;
	v40 =	vadd.f32 v45, v9;
	v43 =	vadd.f32 v47, v48;
	[tilespmem:s31+$0xF0] =	vst v46  }
0x9b: {  	v32 =	vmax.f32 v32, $0.0e+00  }
0x9c: {  	v31 =	vmax.f32 v31, $0.0e+00;
	[tilespmem:s31+$0x30] =	vst v32  }
0x9d: {  	v25 =	vmax.f32 v25, $0.0e+00;
	[tilespmem:s31+$0xE0] =	vst v31  }
0x9e: {  	v24 =	vmax.f32 v24, $0.0e+00;
	[tilespmem:s31+$0xFFFFFF90] =	vst v25  }
0x9f: {  	v44 =	vadd.f32 v44, v11;
	v56 =	vmax.f32 v29, $0.0e+00;
	[tilespmem:s31+$0xFFFFFFB0] =	vst v24  }
0xa0: {  	v39 =	vadd.f32 v39, v8;
	v51 =	vmax.f32 v40, $0.0e+00;
	[tilespmem:s31+$0xFFFFFFC0] =	vst v56  }
0xa1: {  	v27 =	vadd.f32 v27, v10;
	v48 =	vmax.f32 v44, $0.0e+00;
	[tilespmem:s31+$0xFFFFFF10] =	vst v51  }
0xa2: {  	v58 =	vadd.f32 v26, v13;
	v39 =	vmax.f32 v39, $0.0e+00;
	[tilespmem:s31+$0xFFFFFF30] =	vst v48  }
0xa3: {  	v33 =	vadd.f32 v38, v33;
	v19 =	vadd.f32 v19, v10;
	v59 =	vmax.f32 v27, $0.0e+00;
	[tilespmem:s31+$0xFFFFFF00] =	vst v39  }
0xa4: {  	v49 =	vld [tilespmem:s31+$0xFFFFFF80];
	v34 =	vadd.f32 v41, v34;
	v43 =	vadd.f32 v43, v13;
	v61 =	vmax.f32 v58, $0.0e+00;
	[tilespmem:s31+$0x20] =	vst v59  }
0xa5: {  	v53 =	vld [tilespmem:s31+$0xC0];
	v17 =	vadd.f32 v17, v28;
	v33 =	vadd.f32 v33, v10;
	v19 =	vmax.f32 v19, $0.0e+00;
	[tilespmem:s31+$0xD0] =	vst v61  }
0xa6: {  	v54 =	vadd.f32 v36, v35;
	v34 =	vadd.f32 v34, v15;
	v50 =	vmax.f32 v43, $0.0e+00;
	[tilespmem:s31+$0xA0] =	vst v19  }
0xa7: {  	v16 =	vmul.f32 v16, v4;
	v17 =	vadd.f32 v17, v11;
	[tilespmem:s31+$0xFFFFFF50] =	vst v50;
	v33 =	vmax.f32 v33, $0.0e+00  }
0xa8: {  	v37 =	vadd.f32 v42, v37;
	v55 =	vadd.f32 v54, v12;
	v34 =	vmax.f32 v34, $0.0e+00;
	[tilespmem:s31+$0xFFFFFF20] =	vst v33  }
0xa9: {  	v62 =	vadd.f32 v20, v9;
	v18 =	vadd.f32 v18, v49;
	v17 =	vmax.f32 v17, $0.0e+00;
	[tilespmem:s31+$0xFFFFFF70] =	vst v34  }
0xaa: {  	v37 =	vadd.f32 v37, v14;
	v16 =	vadd.f32 v53, v16;
	v25 =	vmax.f32 v55, $0.0e+00;
	[tilespmem:s31+$0xB0] =	vst v17  }
0xab: {  	v17 =	vmax.f32 v62, $0.0e+00;
	v18 =	vadd.f32 v18, v8;
	[tilespmem:s31+$0xFFFFFF40] =	vst v25  }
0xac: {  	v52 =	vmax.f32 v37, $0.0e+00;
	v16 =	vadd.f32 v16, v12;
	[tilespmem:s31+$0x90] =	vst v17  }
0xad: {  	v57 =	vadd.f32 v30, v8;
	[tilespmem:s31+$0xFFFFFF60] =	vst v52;
	v18 =	vmax.f32 v18, $0.0e+00  }
0xae: {  	v60 =	vadd.f32 v21, v13;
	v16 =	vmax.f32 v16, $0.0e+00;
	[tilespmem:s31+$0xFFFFFF80] =	vst v18  }
0xaf: {  	v18 =	vmax.f32 v57, $0.0e+00;
	[tilespmem:s31+$0xC0] =	vst v16;
	v16 =	vadd.f32 v23, v15  }
0xb0: {  	v63 =	vadd.f32 v22, v14;
	[tilespmem:s31+$0x80] =	vst v18;
	v18 =	vmax.f32 v60, $0.0e+00  }
0xb1: {  	s30 =	sadd.s32 $0x1, s30;
	[tilespmem:s31+$0x50] =	vst v18;
	v16 =	vmax.f32 v16, $0.0e+00  }
0xb2: {  	p1 =	sne.s32 s30, $0x7D;
	[tilespmem:s31+$0x70] =	vst v16;
	v16 =	vmax.f32 v63, $0.0e+00  }
.Ltmp1:
0xb3: {  	[tilespmem:s31+$0x60] =	vst v16;
	(pc) =	sbr.rel @p1 .LBB2_2-.Ltmp1, $4  }
0xb4: {  	[spmem:s5] =	stream.indirect.scatter.add.f32 [tilespmem:s26], [sflag:$0x2], $0x80, s23, s25, $0xb8;
	[tilespmem:$0x16300] =	vst v63  }
0xb5: {  	_ =	swait.ge [sflag:s17], $0x2800  }
0xb6: {  	[sflag:s17] =	ssyncset.done $0x0  }
0xb7: {  	[sflag:s17] =	ssyncadd.s32 $0xFFFFD800  }
0xb8: {  	[bflag:$0x0] =	sbarrier.arrive $0xFFFF  }
0xb9: {  	[hbm:s13], [sflag:s19] =	dma.local [spmem:s20], $0x2700  }
0xba: {  	s29 =	sadd.s32 $0x1, s29;
	_ =	swait.ge [sflag:s17], $0x2700  }
0xbb: {  	p1 =	sne.s32 s29, s15;
	[sflag:s17] =	ssyncset.done $0x0  }
.Ltmp2:
0xbc: {  	s0 =	simm.s32 @!p0 $0x2;
	[sflag:s17] =	ssyncadd.s32 $0xFFFFD900;
	(pc) =	sbr.rel @p1 .LBB2_1-.Ltmp2, $4  }
0xbd: {  	[hbm:s14], [sflag:s19] =	dma.local @!p0 [spmem:s21], $0x100  }
0xbe: {  	_ =	swait.ge @!p0 [sflag:s0], $0x100  }
0xbf: {  	[sflag:s0] =	ssyncset.done @!p0 $0x0  }
0xc0: {  	[sflag:s0] =	ssyncadd.s32 @!p0 $0xFFFFFF00  }
0xc1: {  	_ =	sfence.sel $0x180000  }
0xc2: {  	[bflag:$0x0] =	sbarrier.arrive $0xFFFF  }
0xc3: {  	_ =	strace $0x9000004A  }
0xc4: {  	s0 =	stileid.u32;
	[bflag:$0x2] =	sbarrier.arrive $0xFFFF  }
0xc5: {  	p0 =	sne.s32 s0, $0x0;
	s0 =	rddreg [dreg:$0x5]  }
0xc6: {  	s0 =	sadd.s32 @!p0 $0x100000, s0  }
0xc7: {  	[sflag:s0] =	ssyncadd.tile.s32 @!p0 $0x1;
	_ =	shalt  }
.Lfunc_end2:
_tile_overlayer_lowered:
.L_overlay_start_2:
0xc8: {  	(tag) =	ssettag $0x2  }
0xc9: {  	s0 =	rddreg [dreg:$0x0];
	s2 =	stileid.u32  }
0xca: {  	s1 =	rddreg [dreg:$0x1];
	p0 =	sne.s32 s2, $0x0  }
0xcb: {  	s3 =	rddreg [dreg:$0x2];
	[bflag:$0x3] =	sbarrier.arrive $0xFFFF;
	s2 =	simm.s32 @!p0 $0x1C02  }
0xcc: {  	[timem:s3], [sflag:s2] =	dma.local @!p0 [hbm:s0], s1  }
0xcd: {  	s0 =	simm.s32 @!p0 $0x2  }
0xce: {  	_ =	swait.ge @!p0 [sflag:s0], s1  }
0xcf: {  	s1 =	ssub.s32 @!p0 $0x0, s1;
	[sflag:s0] =	ssyncset.done @!p0 $0x0  }
0xd0: {  	[sflag:s0] =	ssyncadd.s32 @!p0 s1  }
0xd1: {  	[bflag:$0x3] =	sbarrier.arrive $0xFFFF  }
0xd2: {  	_ =	shalt  }

// kernel: kernel.15.cloned.1.call-start
scs
__scs_entry_jumppad:
0x0: {  	(pc) =	sbr.rel $0x88, $3  }
0x1: {  	(tag) =	ssettag $0x0;
	lr =	simm.s32 $0x1  }
0x2: {  	[smem:$0x3F91] =	sst lr;
	_ =	strace $0xD0000000  }
0x3: {  	_ = 	snop  }
0x4: {  	_ = 	snop  }
0x5: {  	_ = 	snop  }
0x6: {  	_ = 	snop  }
0x7: {  	_ = 	snop  }
__scs_overlays_trampoline_lowered:
0x8: {  	[smem:$0x3FA0] =	sst s0  }
0x9: {  	[smem:$0x3FA1] =	sst s1  }
0xa: {  	[smem:$0x3FA2] =	sst s2  }
0xb: {  	[smem:$0x3FA3] =	sst s3  }
0xc: {  	[smem:$0x3FA4] =	sst s4  }
0xd: {  	[smem:$0x3FA5] =	sst s5  }
0xe: {  	[smem:$0x3FA6] =	sst s6  }
0xf: {  	[smem:$0x3FA7] =	sst s7  }
0x10: {  	[smem:$0x3FA8] =	sst s8  }
0x11: {  	[smem:$0x3FA9] =	sst s9;
	s0 =	simm.s32 @!p0 $0x0  }
0x12: {  	s1 =	sld [smem:$0x3F8F];
	s0 =	simm.s32 @p0 $0x1  }
0x13: {  	[smem:$0x3FAA] =	sst s0;
	s0 =	simm.s32 @!p1 $0x0  }
0x14: {  	s2 =	sld [smem:$0x3F8E];
	s0 =	simm.s32 @p1 $0x1  }
0x15: {  	[smem:$0x3FAB] =	sst s0;
	s0 =	simm.s32 @!p2 $0x0  }
0x16: {  	s3 =	sld [smem:$0x3FDB];
	s0 =	simm.s32 @p2 $0x1  }
0x17: {  	s4 =	simm.s32 $0x1BF5;
	[smem:$0x3FAD] =	sst s0  }
0x18: {  	s0 =	sld [smem:$0x3F90];
	_ =	swait.ge [sflag:s4], $0x0  }
0x19: {  	s7 =	sld [smem:$0x3F91]  }
0x1a: {  	s8 =	sadd.s32 $0xFFFFE003, lr  }
0x1b: {  	s9 =	sadd.s32 $0xFFFFFEF7, lr;
	s5 =	simm.s32 $0xFFFFFFFF;
	p2 =	slt.u32 s8, $0xFFFFF086  }
0x1c: {  	p1 =	slt.u32 s9, $0xF7A;
	s5 =	simm.s32 @!p2 $0x0  }
0x1d: {  	s5 =	simm.s32 @p1 $0x1;
	p0 =	seq.s32 s7, s2  }
0x1e: {  	s7 =	smul.u32 @!p0 $0xF7A, s2;
	p2 =	seq.s32 @!p0 s5, $0x0  }
0x1f: {  	s9 =	smul.u32 $0xF7A, s1;
	s8 =	simm.s32 @!p0 $0x1BF5;
	p2 =	por !p2, p0  }
0x20: {  	[sflag:s8] =	ssyncset.s32 @!p0 $0xFFFFF086;
	s6 =	sadd.s32 @!p0 s3, s7;
	s7 =	simm.s32 @!p0 $0x108  }
0x21: {  	s3 =	sadd.s32 s3, s9;
	s6 =	sadd.s32 @!p0 $0x88, s6;
	s7 =	simm.s32 @p2 $0x1082  }
0x22: {  	[simem:s7], [sflag:s8] =	dma.local @!p0 [hbm:s6], $0xF7A  }
0x23: {  	s9 =	sor.u32 $0xD0000000, s2;
	s6 =	simm.s32 $0x108;
	_ =	swait.ge @!p0 [sflag:s8], $0x0  }
0x24: {  	s3 =	sadd.s32 $0x88, s3;
	s6 =	simm.s32 @!p1 $0x1082;
	[sflag:s4] =	ssyncset.s32 $0xFFFFF086  }
0x25: {  	[simem:s6], [sflag:s4] =	dma.local [hbm:s3], $0xF7A  }
0x26: {  	[smem:$0x3F91] =	sst s1;
	(tag) =	ssettag s2;
	_ =	strace s9  }
0x27: {  	s1 =	sld [smem:$0x3FA1]  }
0x28: {  	s2 =	sld [smem:$0x3FA2]  }
0x29: {  	s4 =	sld [smem:$0x3FA4]  }
0x2a: {  	p0 =	seq.s32 s5, $0x0;
	s5 =	sld [smem:$0x3FA5]  }
0x2b: {  	s6 =	sld [smem:$0x3FA6]  }
0x2c: {  	s7 =	sld [smem:$0x3FA7]  }
0x2d: {  	s3 =	simm.s32 $0x108;
	s8 =	sld [smem:$0x3FA8]  }
0x2e: {  	s3 =	simm.s32 @!p0 $0x1082;
	s9 =	sld [smem:$0x3FA9]  }
0x2f: {  	lr =	sadd.s32 s0, s3;
	s0 =	sld [smem:$0x3FA0]  }
0x30: {  	s3 =	sld [smem:$0x3FA3]  }
0x31: {  	[smem:$0x3FAC] =	sst s10  }
0x32: {  	s10 =	sld [smem:$0x3FAA];
	_ =	sdelay $0x3  }
0x33: {  	p0 =	seq.s32 s10, $0x1;
	s10 =	sld [smem:$0x3FAC];
	_ =	sdelay $0x3  }
0x34: {  	[smem:$0x3FAC] =	sst s10  }
0x35: {  	s10 =	sld [smem:$0x3FAB];
	_ =	sdelay $0x3  }
0x36: {  	p1 =	seq.s32 s10, $0x1;
	s10 =	sld [smem:$0x3FAC];
	_ =	sdelay $0x3  }
0x37: {  	[smem:$0x3FAC] =	sst s10  }
0x38: {  	s10 =	sld [smem:$0x3FAD]  }
0x39: {  	_ = 	snop;
	(pc) =	sbr.ind lr, $3  }
0x3a: {  	_ = 	snop  }
0x3b: {  	_ = 	snop  }
0x3c: {  	p2 =	seq.s32 s10, $0x1;
	s10 =	sld [smem:$0x3FAC]  }
0x3d: {  	_ =	shalt  }
0x3e: {  	_ =	shalt  }
0x3f: {  	_ =	shalt  }
0x40: {  	_ =	shalt  }
0x41: {  	_ =	shalt  }
0x42: {  	_ =	shalt  }
0x43: {  	_ =	shalt  }
0x44: {  	_ =	shalt  }
0x45: {  	_ =	shalt  }
0x46: {  	_ =	shalt  }
0x47: {  	_ =	shalt  }
0x48: {  	_ =	shalt  }
0x49: {  	_ =	shalt  }
0x4a: {  	_ =	shalt  }
0x4b: {  	_ =	shalt  }
0x4c: {  	_ =	shalt  }
0x4d: {  	_ =	shalt  }
0x4e: {  	_ =	shalt  }
0x4f: {  	_ =	shalt  }
0x50: {  	_ =	shalt  }
0x51: {  	_ =	shalt  }
0x52: {  	_ =	shalt  }
0x53: {  	_ =	shalt  }
0x54: {  	_ =	shalt  }
0x55: {  	_ =	shalt  }
0x56: {  	_ =	shalt  }
0x57: {  	_ =	shalt  }
0x58: {  	_ =	shalt  }
0x59: {  	_ =	shalt  }
0x5a: {  	_ =	shalt  }
0x5b: {  	_ =	shalt  }
0x5c: {  	_ =	shalt  }
0x5d: {  	_ =	shalt  }
0x5e: {  	_ =	shalt  }
0x5f: {  	_ =	shalt  }
0x60: {  	_ =	shalt  }
0x61: {  	_ =	shalt  }
0x62: {  	_ =	shalt  }
0x63: {  	_ =	shalt  }
0x64: {  	_ =	shalt  }
0x65: {  	_ =	shalt  }
0x66: {  	_ =	shalt  }
0x67: {  	_ =	shalt  }
0x68: {  	_ =	shalt  }
0x69: {  	_ =	shalt  }
0x6a: {  	_ =	shalt  }
0x6b: {  	_ =	shalt  }
0x6c: {  	_ =	shalt  }
0x6d: {  	_ =	shalt  }
0x6e: {  	_ =	shalt  }
0x6f: {  	_ =	shalt  }
0x70: {  	_ =	shalt  }
0x71: {  	_ =	shalt  }
0x72: {  	_ =	shalt  }
0x73: {  	_ =	shalt  }
0x74: {  	_ =	shalt  }
0x75: {  	_ =	shalt  }
0x76: {  	_ =	shalt  }
0x77: {  	_ =	shalt  }
0x78: {  	_ =	shalt  }
0x79: {  	_ =	shalt  }
0x7a: {  	_ =	shalt  }
0x7b: {  	_ =	shalt  }
0x7c: {  	_ =	shalt  }
0x7d: {  	_ =	shalt  }
0x7e: {  	_ =	shalt  }
0x7f: {  	_ =	shalt  }
0x80: {  	_ =	shalt  }
0x81: {  	_ =	shalt  }
0x82: {  	_ =	shalt  }
0x83: {  	_ =	shalt  }
0x84: {  	_ =	shalt  }
0x85: {  	_ =	shalt  }
0x86: {  	_ =	shalt  }
0x87: {  	_ =	shalt  }
.Lfunc_end0:
.L_simem_size_0:
called_computation.2_lowered:
.L_overlay_start_0:
0x88: {  	s2 =	sld [smem:$0x3FD9]  }
0x89: {  	s3 =	sld [smem:$0x3FFE];
	_ =	sdelay $0x1  }
0x8a: {  	s1 =	srdreg.scid  }
0x8b: {  	s0 =	sand.u32 $0x1, s1  }
0x8c: {  	s14 =	sshll.u32 s0, $0xA;
	s2 =	sadd.s32 s3, s2  }
0x8d: {  	s2 =	sadd.s32 s2, s14  }
0x8e: {  	[smem:$0x3FB8] =	sst s2  }
0x8f: {  	_ = 	snop  }
0x90: {  	s2 =	sld [smem:$0x3FD0];
	_ =	sdelay $0x2  }
0x91: {  	s15 =	simm.s32 $0xA;
	s4 =	simm.s32 $0x10  }
0x92: {  	[smem:s4], [sflag:s15] =	dma.local [hbm:s2], $0x1  }
0x93: {  	_ =	swait.eq [sflag:s15], $0x1  }
0x94: {  	[sflag:s15] =	ssyncset.done $0x0  }
0x95: {  	[sflag:s15] =	ssyncadd.s32 $0xFFFFFFFF  }
0x96: {  	s16 =	sld [smem:$0x10];
	(tm) =	ssettm $0x1  }
0x97: {  	s17 =	sld [smem:$0x3FFB];
	_ =	sdelay $0x3  }
0x98: {  	_ =	strace s17  }
0x99: {  	s3 =	sld [smem:$0x3FFC];
	_ =	sdelay $0x3  }
0x9a: {  	_ =	strace s3  }
0x9b: {  	s3 =	sld [smem:$0x3FFD];
	_ =	sdelay $0x3  }
0x9c: {  	_ =	strace s3  }
0x9d: {  	_ =	strace $0x8FFFFFFF  }
0x9e: {  	s18 =	sld [smem:$0x3FDB];
	_ =	sdelay $0x1  }
0x9f: {  	s19 =	simm.s32 $_scs_section_size  }
0xa0: {  	s5 =	simm.s32 $_size__tile_overlayer_lowered;
	s6 =	simm.s32 $_tile_overlayer_lowered  }
0xa1: {  	s22 =	simm.s32 $0x1BFF;
	s21 =	sshll.u32 s6, $0x1;
	s3 =	sadd.s32 s19, s18  }
0xa2: {  	s7 =	simm.s32 $0x0;
	s20 =	sshll.u32 s5, $0x1;
	s5 =	sadd.s32 s21, s3  }
0xa3: {  	[timem:s7], [sflag:s22] =	dma.local [hbm:s5], s20  }
0xa4: {  	_ =	swait.ge [sflag:s22], s20  }
0xa5: {  	s4 =	ssub.s32 $0x0, s20;
	[sflag:s22] =	ssyncset.done $0x0  }
0xa6: {  	[sflag:s22] =	ssyncadd.s32 s4;
	_ =	sdelay $0x1  }
0xa7: {  	s23 =	simm.s32 $0x1B8B  }
0xa8: {  	_ =	swait.ge [sflag:s23], $0x1  }
0xa9: {  	[sflag:s23] =	ssyncset.done $0x0  }
0xaa: {  	s25 =	simm.s32 $0x1B8E;
	s24 =	sld [smem:$0x3FFE];
	[sflag:s23] =	ssyncadd.s32 $0xFFFFFFFF  }
0xab: {  	s26 =	simm.s32 $execute0_lowered;
	[smem:$0x3FD2] =	sst s25  }
0xac: {  	s5 =	sshll.u32 s26, $0x1;
	_ =	strace $0x8000004C;
	[dreg:$0x1] =	wrdreg $0xFFFFFFFF  }
0xad: {  	s28 =	simm.s32 $_size_execute0_lowered;
	s3 =	sadd.s32 s3, s5;
	[dreg:$0x0] =	wrdreg $0x0  }
0xae: {  	s5 =	sshll.u32 s28, $0x1;
	[dreg:$0x2] =	wrdreg s3  }
0xaf: {  	[dreg:$0x3] =	wrdreg s5  }
0xb0: {  	[dreg:$0x4] =	wrdreg $0xC0  }
0xb1: {  	_ =	task [dreg:s7], $0x5FFFF  }
0xb2: {  	[dreg:$0x1] =	wrdreg $0xFFFFFFFF  }
0xb3: {  	[dreg:$0x0] =	wrdreg $0x60  }
0xb4: {  	[dreg:$0x2] =	wrdreg s16  }
0xb5: {  	[dreg:$0x3] =	wrdreg s24  }
0xb6: {  	[dreg:$0x4] =	wrdreg $0x9  }
0xb7: {  	_ =	task.clear_ibuf [dreg:s7], $0x5FFFF;
	_ =	strace $0x9000004C  }
0xb8: {  	s29 =	simm.s32 $0x9;
	_ =	strace $0x8000004E  }
0xb9: {  	_ =	swait.ge [sflag:s29], $0x1  }
0xba: {  	[sflag:s29] =	ssyncadd.s32 $0xFFFFFFFF  }
0xbb: {  	_ =	strace $0x9000004E  }
0xbc: {  	_ =	sfence  }
0xbd: {  	s30 =	sld [smem:$0x0];
	_ =	sdelay $0x2  }
0xbe: {  	s31 =	sshll.u32 s1, $0xD;
	s1 =	sshrl.u32 s1, $0x2  }
0xbf: {  	s3 =	sand.u32 $0x4000, s31;
	s1 =	sadd.s32 s1, s30  }
0xc0: {  	s0 =	sor.u32 s3, s0;
	s1 =	sshll.u32 s1, $0x11  }
0xc1: {  	s0 =	sor.u32 s1, s0  }
0xc2: {  	s0 =	sadd.s32 $0x8F2B, s0  }
0xc3: {  	[sflag:s0] =	ssyncadd.remote.s32 $0x1  }
0xc4: {  	_ =	sfence.sel $0xFFFF  }
0xc5: {  	[dreg:$0x0] =	wrdreg $0xFFFFFFFF;
	(pc) =	sbr.abs _section_cstart, $3  }
0xc6: {  	[dreg:$0x1] =	wrdreg $0xFFFFFFFF  }
0xc7: {  	_ =	task.clear_ibuf [dreg:s7], $0x2FFFF;
	_ =	strace $0x9FFFFFFF  }
0xc8: {  	(tm) =	ssettm $0x7FFFFFFF  }
0xc9: {  	_ =	shalt  }
tec
execute0_lowered:
.L_overlay_start_1:
0x0: {  	(tag) =	ssettag $0x1  }
0x1: {  	s1 =	srdreg.scid;
	s2 =	rddreg [dreg:$0x0]  }
0x2: {  	s0 =	stileid.u32;
	s6 =	rddreg [dreg:$0x1]  }
0x3: {  	s3 =	simm.s32 $0x0;
	s9 =	simm.s32 $0x1;
	s10 =	simm.s32 $0x2780  }
0x4: {  	s11 =	simm.s32 $0x4F00;
	s4 =	sand.u32 $0x1, s1;
	s5 =	smul.u32 $0x4E20, s0  }
0x5: {  	s12 =	simm.s32 $0x4F80;
	s13 =	simm.s32 $0x5000;
	s7 =	smul.u32 $0x2710, s4  }
0x6: {  	s14 =	simm.s32 $0x0;
	s1 =	rddreg [dreg:$0x2];
	s4 =	ssub.s32 $0x2, s4  }
0x7: {  	[smem:$0x7FF] =	sst s3;
	s31 =	sshrl.u32 s4, $0x1;
	s5 =	sadd.s32 s7, s5  }
0x8: {  	_ =	strace $0x8000004D;
	s7 =	ssub.s32 s4, s31;
	s5 =	sshrl.u32 s5, $0x3  }
0x9: {  	s4 =	sadd.s32 $0x1600, s6;
	s8 =	sadd.s32 s5, s6;
	s5 =	smax.u32 s7, $0x1  }
0xa: {  	s6 =	sadd.s32 $0x1F000, s8;
	s7 =	sadd.s32 $0xB400, s8;
	s8 =	sadd.s32 $0x15200, s8  }
.LBB2_1:
0xb: {  	[tilespmem:s3], [sflag:$0x1] =	stream.linear.gather [hbm4b:s2+s3], $0x2780, $0x38;
	[tilespmem:$0x5080] =	vst v63  }
0xc: {  	_ =	swait.ge [sflag:s9], $0x2780  }
0xd: {  	[sflag:s9] =	ssyncset.done $0x0  }
0xe: {  	[sflag:s9] =	ssyncadd.s32 $0xFFFFD880  }
0xf: {  	[tilespmem:s10], [sflag:$0x1] =	stream.linear.gather [hbm4b:s4+s3], $0x2780, $0x38;
	[tilespmem:$0x5080] =	vst v63  }
0x10: {  	_ =	swait.ge [sflag:s9], $0x2780  }
0x11: {  	[sflag:s9] =	ssyncset.done $0x0  }
0x12: {  	s15 =	sadd.s32 $0x0, s8;
	[sflag:s9] =	ssyncadd.s32 $0xFFFFD880  }
0x13: {  	[tilespmem:s11], [sflag:$0x1] =	stream.linear.gather [hbm4b:s15+s3], $0x50, $0x38;
	[tilespmem:$0x5080] =	vst v63  }
0x14: {  	_ =	swait.ge [sflag:s9], $0x50  }
0x15: {  	[sflag:s9] =	ssyncset.done $0x0  }
0x16: {  	s31 =	sadd.s32 $0x0, s7;
	[sflag:s9] =	ssyncadd.s32 $0xFFFFFFB0  }
0x17: {  	[tilespmem:s12], [sflag:$0x1] =	stream.linear.gather [hbm4b:s31+s3], $0x50, $0x38;
	[tilespmem:$0x5080] =	vst v63  }
0x18: {  	_ =	swait.ge [sflag:s9], $0x50  }
0x19: {  	[sflag:s9] =	ssyncset.done $0x0  }
0x1a: {  	[sflag:s9] =	ssyncadd.s32 $0xFFFFFFB0  }
0x1b: {  	v0 =	vld [tilespmem:$0x4FC0]  }
0x1c: {  	v1 =	vld [tilespmem:$0x4FB0]  }
0x1d: {  	v3 =	vld [tilespmem:$0x4FA0]  }
0x1e: {  	v2 =	vld [tilespmem:$0x4F30]  }
0x1f: {  	v6 =	vld [tilespmem:$0x4F00]  }
0x20: {  	v9 =	vld [tilespmem:$0x4F90]  }
0x21: {  	v10 =	vld [tilespmem:$0x4F20]  }
0x22: {  	v8 =	vld [tilespmem:$0x4F80]  }
0x23: {  	v5 =	vld [tilespmem:$0x4F40]  }
0x24: {  	v7 =	vld [tilespmem:$0x4F10]  }
0x25: {  	v1 =	vld.idx.msk [tilespmem:v1+s10+$0x0], $0xffff  }
0x26: {  	v4 =	vld.idx.msk [tilespmem:v3+s10+$0x0], $0xffff  }
0x27: {  	v6 =	vld.idx.msk [tilespmem:v6+s3+$0x0], $0xffff  }
0x28: {  	v3 =	vld.idx.msk [tilespmem:v9+s10+$0x0], $0xffff  }
0x29: {  	s16 =	simm.s32 $0xA;
	s15 =	simm.s32 $0x0;
	v9 =	vld.idx.msk [tilespmem:v10+s3+$0x0], $0xffff  }
.LBB2_2:
0x2a: {  	p0 =	sne.s32 s16, $0x4D8;
	v8 =	vld.idx.msk [tilespmem:v8+s10+$0x0], $0xffff;
	s17 =	smov.u32 s16;
	s16 =	sadd.s32 $0xA, s16  }
0x2b: {  	v0 =	vld.idx.msk [tilespmem:v0+s10+$0x0], $0xffff  }
0x2c: {  	v5 =	vld.idx.msk [tilespmem:v5+s3+$0x0], $0xffff  }
0x2d: {  	v2 =	vld.idx.msk [tilespmem:v2+s3+$0x0], $0xffff  }
0x2e: {  	v7 =	vld.idx.msk [tilespmem:v7+s3+$0x0], $0xffff  }
0x2f: {  	v4 =	vadd.f32 v4, v9  }
0x30: {  	v6 =	vadd.f32 v8, v6  }
0x31: {  	[tilespmem:$0x5020] =	vst v4  }
0x32: {  	v0 =	vadd.f32 v0, v5;
	[tilespmem:$0x5000] =	vst v6  }
0x33: {  	v1 =	vadd.f32 v1, v2  }
0x34: {  	v2 =	vadd.f32 v3, v7;
	[tilespmem:$0x5040] =	vst v0  }
0x35: {  	s18 =	sadd.s32 s17, s8;
	[tilespmem:$0x5030] =	vst v1  }
0x36: {  	s19 =	sadd.s32 s15, s6;
	s15 =	smov.u32 s17;
	[tilespmem:$0x5010] =	vst v2  }
0x37: {  	[hbm4b:s19+s3] =	stream.linear.scatter [tilespmem:s13], [sflag:$0x1], $0x50, $0x38;
	[tilespmem:$0x5080] =	vst v63  }
0x38: {  	_ =	swait.ge [sflag:s9], $0x50  }
0x39: {  	[sflag:s9] =	ssyncset.done $0x0  }
0x3a: {  	[sflag:s9] =	ssyncadd.s32 $0xFFFFFFB0  }
0x3b: {  	[tilespmem:s11], [sflag:$0x1] =	stream.linear.gather [hbm4b:s18+s3], $0x50, $0x38;
	[tilespmem:$0x5080] =	vst v63  }
0x3c: {  	_ =	swait.ge [sflag:s9], $0x50  }
0x3d: {  	[sflag:s9] =	ssyncset.done $0x0  }
0x3e: {  	s17 =	sadd.s32 s15, s7;
	[sflag:s9] =	ssyncadd.s32 $0xFFFFFFB0  }
0x3f: {  	[tilespmem:s12], [sflag:$0x1] =	stream.linear.gather [hbm4b:s17+s3], $0x50, $0x38;
	[tilespmem:$0x5080] =	vst v63  }
0x40: {  	_ =	swait.ge [sflag:s9], $0x50  }
0x41: {  	[sflag:s9] =	ssyncset.done $0x0  }
0x42: {  	[sflag:s9] =	ssyncadd.s32 $0xFFFFFFB0  }
0x43: {  	v0 =	vld [tilespmem:$0x4FC0]  }
0x44: {  	v1 =	vld [tilespmem:$0x4FB0]  }
0x45: {  	v3 =	vld [tilespmem:$0x4FA0]  }
0x46: {  	v2 =	vld [tilespmem:$0x4F30]  }
0x47: {  	v6 =	vld [tilespmem:$0x4F00]  }
0x48: {  	v9 =	vld [tilespmem:$0x4F90]  }
0x49: {  	v10 =	vld [tilespmem:$0x4F20]  }
0x4a: {  	v8 =	vld [tilespmem:$0x4F80]  }
0x4b: {  	v5 =	vld [tilespmem:$0x4F40]  }
0x4c: {  	v1 =	vld.idx.msk [tilespmem:v1+s10+$0x0], $0xffff  }
.Ltmp0:
0x4d: {  	v4 =	vld.idx.msk [tilespmem:v3+s10+$0x0], $0xffff;
	(pc) =	sbr.rel @p0 .LBB2_2-.Ltmp0, $4  }
0x4e: {  	v7 =	vld [tilespmem:$0x4F10]  }
0x4f: {  	v6 =	vld.idx.msk [tilespmem:v6+s3+$0x0], $0xffff  }
0x50: {  	v3 =	vld.idx.msk [tilespmem:v9+s10+$0x0], $0xffff  }
0x51: {  	v9 =	vld.idx.msk [tilespmem:v10+s3+$0x0], $0xffff  }
0x52: {  	_ =	sdelay $0x3  }
0x53: {  	v8 =	vld.idx.msk [tilespmem:v8+s10+$0x0], $0xffff  }
0x54: {  	v0 =	vld.idx.msk [tilespmem:v0+s10+$0x0], $0xffff  }
0x55: {  	v5 =	vld.idx.msk [tilespmem:v5+s3+$0x0], $0xffff  }
0x56: {  	v2 =	vld.idx.msk [tilespmem:v2+s3+$0x0], $0xffff  }
0x57: {  	v7 =	vld.idx.msk [tilespmem:v7+s3+$0x0], $0xffff  }
0x58: {  	v4 =	vadd.f32 v4, v9  }
0x59: {  	v6 =	vadd.f32 v8, v6  }
0x5a: {  	v0 =	vadd.f32 v0, v5;
	[tilespmem:$0x5020] =	vst v4  }
0x5b: {  	v1 =	vadd.f32 v1, v2;
	[tilespmem:$0x5000] =	vst v6  }
0x5c: {  	s14 =	sadd.s32 $0x1, s14;
	v63 =	vadd.f32 v3, v7;
	[tilespmem:$0x5040] =	vst v0  }
0x5d: {  	p0 =	sne.s32 s14, s5;
	[tilespmem:$0x5030] =	vst v1  }
.Ltmp1:
0x5e: {  	s15 =	sadd.s32 s15, s6;
	[tilespmem:$0x5010] =	vst v63;
	(pc) =	sbr.rel @p0 .LBB2_1-.Ltmp1, $4  }
0x5f: {  	[hbm4b:s15+s3] =	stream.linear.scatter [tilespmem:s13], [sflag:$0x1], $0x50, $0x38;
	[tilespmem:$0x5080] =	vst v63  }
0x60: {  	_ =	swait.ge [sflag:s9], $0x50  }
0x61: {  	[sflag:s9] =	ssyncset.done $0x0  }
0x62: {  	[sflag:s9] =	ssyncadd.s32 $0xFFFFFFB0  }
0x63: {  	_ =	sfence.sel $0x180000  }
0x64: {  	[bflag:$0x0] =	sbarrier.arrive $0xFFFF  }
0x65: {  	p0 =	sne.s32 s0, $0x0;
	_ =	strace $0x9000004D  }
0x66: {  	s0 =	sadd.s32 @!p0 $0x100000, s1;
	[bflag:$0x2] =	sbarrier.arrive $0xFFFF  }
0x67: {  	[sflag:s0] =	ssyncadd.tile.s32 @!p0 $0x1;
	_ =	shalt  }
.Lfunc_end2:
_tile_overlayer_lowered:
.L_overlay_start_2:
0x68: {  	(tag) =	ssettag $0x2  }
0x69: {  	s0 =	rddreg [dreg:$0x0];
	s2 =	stileid.u32  }
0x6a: {  	s1 =	rddreg [dreg:$0x1];
	p0 =	sne.s32 s2, $0x0  }
0x6b: {  	s3 =	rddreg [dreg:$0x2];
	[bflag:$0x3] =	sbarrier.arrive $0xFFFF;
	s2 =	simm.s32 @!p0 $0x1C01  }
0x6c: {  	[timem:s3], [sflag:s2] =	dma.local @!p0 [hbm:s0], s1  }
0x6d: {  	s0 =	simm.s32 @!p0 $0x1  }
0x6e: {  	_ =	swait.ge @!p0 [sflag:s0], s1  }
0x6f: {  	s1 =	ssub.s32 @!p0 $0x0, s1;
	[sflag:s0] =	ssyncset.done @!p0 $0x0  }
0x70: {  	[sflag:s0] =	ssyncadd.s32 @!p0 s1  }
0x71: {  	[bflag:$0x3] =	sbarrier.arrive $0xFFFF  }
0x72: {  	_ =	shalt  }

// kernel: kernel.9.cloned.1.call-start
scs
__scs_entry_jumppad:
0x0: {  	(pc) =	sbr.rel $0x88, $3  }
0x1: {  	(tag) =	ssettag $0x0;
	lr =	simm.s32 $0x1  }
0x2: {  	[smem:$0x3F91] =	sst lr;
	_ =	strace $0xD0000000  }
0x3: {  	_ = 	snop  }
0x4: {  	_ = 	snop  }
0x5: {  	_ = 	snop  }
0x6: {  	_ = 	snop  }
0x7: {  	_ = 	snop  }
__scs_overlays_trampoline_lowered:
0x8: {  	[smem:$0x3FA0] =	sst s0  }
0x9: {  	[smem:$0x3FA1] =	sst s1  }
0xa: {  	[smem:$0x3FA2] =	sst s2  }
0xb: {  	[smem:$0x3FA3] =	sst s3  }
0xc: {  	[smem:$0x3FA4] =	sst s4  }
0xd: {  	[smem:$0x3FA5] =	sst s5  }
0xe: {  	[smem:$0x3FA6] =	sst s6  }
0xf: {  	[smem:$0x3FA7] =	sst s7  }
0x10: {  	[smem:$0x3FA8] =	sst s8  }
0x11: {  	[smem:$0x3FA9] =	sst s9;
	s0 =	simm.s32 @!p0 $0x0  }
0x12: {  	s1 =	sld [smem:$0x3F8F];
	s0 =	simm.s32 @p0 $0x1  }
0x13: {  	[smem:$0x3FAA] =	sst s0;
	s0 =	simm.s32 @!p1 $0x0  }
0x14: {  	s2 =	sld [smem:$0x3F8E];
	s0 =	simm.s32 @p1 $0x1  }
0x15: {  	[smem:$0x3FAB] =	sst s0;
	s0 =	simm.s32 @!p2 $0x0  }
0x16: {  	s3 =	sld [smem:$0x3FDB];
	s0 =	simm.s32 @p2 $0x1  }
0x17: {  	s4 =	simm.s32 $0x1BF5;
	[smem:$0x3FAD] =	sst s0  }
0x18: {  	s0 =	sld [smem:$0x3F90];
	_ =	swait.ge [sflag:s4], $0x0  }
0x19: {  	s7 =	sld [smem:$0x3F91]  }
0x1a: {  	s8 =	sadd.s32 $0xFFFFE003, lr  }
0x1b: {  	s9 =	sadd.s32 $0xFFFFFEF7, lr;
	s5 =	simm.s32 $0xFFFFFFFF;
	p2 =	slt.u32 s8, $0xFFFFF086  }
0x1c: {  	p1 =	slt.u32 s9, $0xF7A;
	s5 =	simm.s32 @!p2 $0x0  }
0x1d: {  	s5 =	simm.s32 @p1 $0x1;
	p0 =	seq.s32 s7, s2  }
0x1e: {  	s7 =	smul.u32 @!p0 $0xF7A, s2;
	p2 =	seq.s32 @!p0 s5, $0x0  }
0x1f: {  	s9 =	smul.u32 $0xF7A, s1;
	s8 =	simm.s32 @!p0 $0x1BF5;
	p2 =	por !p2, p0  }
0x20: {  	[sflag:s8] =	ssyncset.s32 @!p0 $0xFFFFF086;
	s6 =	sadd.s32 @!p0 s3, s7;
	s7 =	simm.s32 @!p0 $0x108  }
0x21: {  	s3 =	sadd.s32 s3, s9;
	s6 =	sadd.s32 @!p0 $0x88, s6;
	s7 =	simm.s32 @p2 $0x1082  }
0x22: {  	[simem:s7], [sflag:s8] =	dma.local @!p0 [hbm:s6], $0xF7A  }
0x23: {  	s9 =	sor.u32 $0xD0000000, s2;
	s6 =	simm.s32 $0x108;
	_ =	swait.ge @!p0 [sflag:s8], $0x0  }
0x24: {  	s3 =	sadd.s32 $0x88, s3;
	s6 =	simm.s32 @!p1 $0x1082;
	[sflag:s4] =	ssyncset.s32 $0xFFFFF086  }
0x25: {  	[simem:s6], [sflag:s4] =	dma.local [hbm:s3], $0xF7A  }
0x26: {  	[smem:$0x3F91] =	sst s1;
	(tag) =	ssettag s2;
	_ =	strace s9  }
0x27: {  	s1 =	sld [smem:$0x3FA1]  }
0x28: {  	s2 =	sld [smem:$0x3FA2]  }
0x29: {  	s4 =	sld [smem:$0x3FA4]  }
0x2a: {  	p0 =	seq.s32 s5, $0x0;
	s5 =	sld [smem:$0x3FA5]  }
0x2b: {  	s6 =	sld [smem:$0x3FA6]  }
0x2c: {  	s7 =	sld [smem:$0x3FA7]  }
0x2d: {  	s3 =	simm.s32 $0x108;
	s8 =	sld [smem:$0x3FA8]  }
0x2e: {  	s3 =	simm.s32 @!p0 $0x1082;
	s9 =	sld [smem:$0x3FA9]  }
0x2f: {  	lr =	sadd.s32 s0, s3;
	s0 =	sld [smem:$0x3FA0]  }
0x30: {  	s3 =	sld [smem:$0x3FA3]  }
0x31: {  	[smem:$0x3FAC] =	sst s10  }
0x32: {  	s10 =	sld [smem:$0x3FAA];
	_ =	sdelay $0x3  }
0x33: {  	p0 =	seq.s32 s10, $0x1;
	s10 =	sld [smem:$0x3FAC];
	_ =	sdelay $0x3  }
0x34: {  	[smem:$0x3FAC] =	sst s10  }
0x35: {  	s10 =	sld [smem:$0x3FAB];
	_ =	sdelay $0x3  }
0x36: {  	p1 =	seq.s32 s10, $0x1;
	s10 =	sld [smem:$0x3FAC];
	_ =	sdelay $0x3  }
0x37: {  	[smem:$0x3FAC] =	sst s10  }
0x38: {  	s10 =	sld [smem:$0x3FAD]  }
0x39: {  	_ = 	snop;
	(pc) =	sbr.ind lr, $3  }
0x3a: {  	_ = 	snop  }
0x3b: {  	_ = 	snop  }
0x3c: {  	p2 =	seq.s32 s10, $0x1;
	s10 =	sld [smem:$0x3FAC]  }
0x3d: {  	_ =	shalt  }
0x3e: {  	_ =	shalt  }
0x3f: {  	_ =	shalt  }
0x40: {  	_ =	shalt  }
0x41: {  	_ =	shalt  }
0x42: {  	_ =	shalt  }
0x43: {  	_ =	shalt  }
0x44: {  	_ =	shalt  }
0x45: {  	_ =	shalt  }
0x46: {  	_ =	shalt  }
0x47: {  	_ =	shalt  }
0x48: {  	_ =	shalt  }
0x49: {  	_ =	shalt  }
0x4a: {  	_ =	shalt  }
0x4b: {  	_ =	shalt  }
0x4c: {  	_ =	shalt  }
0x4d: {  	_ =	shalt  }
0x4e: {  	_ =	shalt  }
0x4f: {  	_ =	shalt  }
0x50: {  	_ =	shalt  }
0x51: {  	_ =	shalt  }
0x52: {  	_ =	shalt  }
0x53: {  	_ =	shalt  }
0x54: {  	_ =	shalt  }
0x55: {  	_ =	shalt  }
0x56: {  	_ =	shalt  }
0x57: {  	_ =	shalt  }
0x58: {  	_ =	shalt  }
0x59: {  	_ =	shalt  }
0x5a: {  	_ =	shalt  }
0x5b: {  	_ =	shalt  }
0x5c: {  	_ =	shalt  }
0x5d: {  	_ =	shalt  }
0x5e: {  	_ =	shalt  }
0x5f: {  	_ =	shalt  }
0x60: {  	_ =	shalt  }
0x61: {  	_ =	shalt  }
0x62: {  	_ =	shalt  }
0x63: {  	_ =	shalt  }
0x64: {  	_ =	shalt  }
0x65: {  	_ =	shalt  }
0x66: {  	_ =	shalt  }
0x67: {  	_ =	shalt  }
0x68: {  	_ =	shalt  }
0x69: {  	_ =	shalt  }
0x6a: {  	_ =	shalt  }
0x6b: {  	_ =	shalt  }
0x6c: {  	_ =	shalt  }
0x6d: {  	_ =	shalt  }
0x6e: {  	_ =	shalt  }
0x6f: {  	_ =	shalt  }
0x70: {  	_ =	shalt  }
0x71: {  	_ =	shalt  }
0x72: {  	_ =	shalt  }
0x73: {  	_ =	shalt  }
0x74: {  	_ =	shalt  }
0x75: {  	_ =	shalt  }
0x76: {  	_ =	shalt  }
0x77: {  	_ =	shalt  }
0x78: {  	_ =	shalt  }
0x79: {  	_ =	shalt  }
0x7a: {  	_ =	shalt  }
0x7b: {  	_ =	shalt  }
0x7c: {  	_ =	shalt  }
0x7d: {  	_ =	shalt  }
0x7e: {  	_ =	shalt  }
0x7f: {  	_ =	shalt  }
0x80: {  	_ =	shalt  }
0x81: {  	_ =	shalt  }
0x82: {  	_ =	shalt  }
0x83: {  	_ =	shalt  }
0x84: {  	_ =	shalt  }
0x85: {  	_ =	shalt  }
0x86: {  	_ =	shalt  }
0x87: {  	_ =	shalt  }
.Lfunc_end0:
.L_simem_size_0:
called_computation_lowered:
.L_overlay_start_0:
0x88: {  	s2 =	sld [smem:$0x3FD9]  }
0x89: {  	s3 =	sld [smem:$0x3FFE];
	_ =	sdelay $0x1  }
0x8a: {  	s1 =	srdreg.scid  }
0x8b: {  	s0 =	sand.u32 $0x1, s1  }
0x8c: {  	s14 =	sshll.u32 s0, $0xA;
	s2 =	sadd.s32 s3, s2  }
0x8d: {  	s2 =	sadd.s32 s2, s14  }
0x8e: {  	[smem:$0x3FB8] =	sst s2  }
0x8f: {  	_ = 	snop  }
0x90: {  	s2 =	sld [smem:$0x3FD0];
	_ =	sdelay $0x2  }
0x91: {  	s15 =	simm.s32 $0xA;
	s4 =	simm.s32 $0x10  }
0x92: {  	[smem:s4], [sflag:s15] =	dma.local [hbm:s2], $0x1  }
0x93: {  	_ =	swait.eq [sflag:s15], $0x1  }
0x94: {  	s16 =	sld [smem:$0x10];
	[sflag:s15] =	ssyncset.done $0x0  }
0x95: {  	s17 =	sld [smem:$0x11];
	[sflag:s15] =	ssyncadd.s32 $0xFFFFFFFF  }
0x96: {  	s18 =	sld [smem:$0x12];
	(tm) =	ssettm $0x1  }
0x97: {  	s5 =	sld [smem:$0x3FFB];
	_ =	sdelay $0x3  }
0x98: {  	_ =	strace s5  }
0x99: {  	s5 =	sld [smem:$0x3FFC];
	_ =	sdelay $0x3  }
0x9a: {  	_ =	strace s5  }
0x9b: {  	s5 =	sld [smem:$0x3FFD];
	_ =	sdelay $0x3  }
0x9c: {  	_ =	strace s5  }
0x9d: {  	_ =	strace $0x8FFFFFFF  }
0x9e: {  	s19 =	sld [smem:$0x3FDB];
	_ =	sdelay $0x1  }
0x9f: {  	s6 =	simm.s32 $_scs_section_size  }
0xa0: {  	s7 =	simm.s32 $_size__tile_overlayer_lowered;
	s8 =	simm.s32 $_tile_overlayer_lowered  }
0xa1: {  	s22 =	simm.s32 $0x1BFF;
	s21 =	sshll.u32 s8, $0x1;
	s5 =	sadd.s32 s6, s19  }
0xa2: {  	s9 =	simm.s32 $0x0;
	s20 =	sshll.u32 s7, $0x1;
	s7 =	sadd.s32 s21, s5  }
0xa3: {  	[timem:s9], [sflag:s22] =	dma.local [hbm:s7], s20  }
0xa4: {  	_ =	swait.ge [sflag:s22], s20  }
0xa5: {  	s6 =	ssub.s32 $0x0, s20;
	[sflag:s22] =	ssyncset.done $0x0  }
0xa6: {  	[sflag:s22] =	ssyncadd.s32 s6;
	_ =	sdelay $0x1  }
0xa7: {  	s23 =	simm.s32 $0x1B8B  }
0xa8: {  	_ =	swait.ge [sflag:s23], $0x1  }
0xa9: {  	[sflag:s23] =	ssyncset.done $0x0  }
0xaa: {  	s25 =	simm.s32 $0x1B8E;
	s24 =	sld [smem:$0x3FFE];
	[sflag:s23] =	ssyncadd.s32 $0xFFFFFFFF  }
0xab: {  	s26 =	simm.s32 $execute0_lowered;
	[smem:$0x3FD2] =	sst s25  }
0xac: {  	s7 =	sshll.u32 s26, $0x1;
	_ =	strace $0x80000046;
	[dreg:$0x1] =	wrdreg $0xFFFFFFFF  }
0xad: {  	s28 =	simm.s32 $_size_execute0_lowered;
	s5 =	sadd.s32 s5, s7;
	[dreg:$0x0] =	wrdreg $0x0  }
0xae: {  	s7 =	sshll.u32 s28, $0x1;
	[dreg:$0x2] =	wrdreg s5  }
0xaf: {  	[dreg:$0x3] =	wrdreg s7  }
0xb0: {  	[dreg:$0x4] =	wrdreg $0xC0  }
0xb1: {  	_ =	task [dreg:s9], $0x5FFFF  }
0xb2: {  	[dreg:$0x1] =	wrdreg $0xFFFFFFFF  }
0xb3: {  	[dreg:$0x0] =	wrdreg $0x60  }
0xb4: {  	[dreg:$0x2] =	wrdreg s16  }
0xb5: {  	[dreg:$0x3] =	wrdreg s24  }
0xb6: {  	[dreg:$0x4] =	wrdreg s17  }
0xb7: {  	[dreg:$0x5] =	wrdreg s18  }
0xb8: {  	[dreg:$0x6] =	wrdreg $0x9  }
0xb9: {  	_ =	task.clear_ibuf [dreg:s9], $0x7FFFF;
	_ =	strace $0x90000046  }
0xba: {  	s29 =	simm.s32 $0x9;
	_ =	strace $0x80000048  }
0xbb: {  	_ =	swait.ge [sflag:s29], $0x1  }
0xbc: {  	[sflag:s29] =	ssyncadd.s32 $0xFFFFFFFF  }
0xbd: {  	_ =	strace $0x90000048  }
0xbe: {  	_ =	sfence  }
0xbf: {  	s30 =	sld [smem:$0x0];
	_ =	sdelay $0x2  }
0xc0: {  	s31 =	sshll.u32 s1, $0xD;
	s1 =	sshrl.u32 s1, $0x2  }
0xc1: {  	s3 =	sand.u32 $0x4000, s31;
	s1 =	sadd.s32 s1, s30  }
0xc2: {  	s0 =	sor.u32 s3, s0;
	s1 =	sshll.u32 s1, $0x11  }
0xc3: {  	s0 =	sor.u32 s1, s0  }
0xc4: {  	s0 =	sadd.s32 $0x8F2B, s0  }
0xc5: {  	[sflag:s0] =	ssyncadd.remote.s32 $0x1  }
0xc6: {  	_ =	sfence.sel $0xFFFF  }
0xc7: {  	[dreg:$0x0] =	wrdreg $0xFFFFFFFF;
	(pc) =	sbr.abs _section_cstart, $3  }
0xc8: {  	[dreg:$0x1] =	wrdreg $0xFFFFFFFF  }
0xc9: {  	_ =	task.clear_ibuf [dreg:s9], $0x2FFFF;
	_ =	strace $0x9FFFFFFF  }
0xca: {  	(tm) =	ssettm $0x7FFFFFFF  }
0xcb: {  	_ =	shalt  }
tec
execute0_lowered:
.L_overlay_start_1:
0x0: {  	(tag) =	ssettag $0x1  }
0x1: {  	s1 =	rddreg [dreg:$0x0]  }
0x2: {  	s5 =	rddreg [dreg:$0x1]  }
0x3: {  	s3 =	rddreg [dreg:$0x2];
	s2 =	srdreg.scid  }
0x4: {  	s0 =	stileid.u32;
	s6 =	rddreg [dreg:$0x3];
	s4 =	simm.s32 $0x0  }
0x5: {  	s12 =	simm.s32 $0x4F00;
	s13 =	simm.s32 $0x4F80;
	s14 =	simm.s32 $0x5000  }
0x6: {  	s15 =	simm.s32 $0x2780;
	s7 =	sand.u32 $0x1, s2;
	s8 =	smul.u32 $0x4E20, s0  }
0x7: {  	s16 =	simm.s32 $0x0;
	s2 =	rddreg [dreg:$0x4];
	s9 =	smul.u32 $0x2710, s7  }
0x8: {  	[smem:$0x7FF] =	sst s4;
	s10 =	sshll.u32 s0, $0x1;
	s29 =	ssub.s32 $0x2, s7  }
0x9: {  	s7 =	sor.u32 s7, s10;
	_ =	strace $0x80000047;
	s8 =	sadd.s32 s9, s8  }
0xa: {  	s30 =	sshrl.u32 s29, $0x1;
	s7 =	smul.u32 $0x4E2, s7;
	s8 =	sshrl.u32 s8, $0x3  }
0xb: {  	s10 =	simm.s32 $0x1;
	s31 =	ssub.s32 s29, s30;
	s11 =	sadd.s32 s8, s5  }
0xc: {  	s5 =	sadd.s32 s6, s7;
	s6 =	smax.u32 s31, $0x1;
	s7 =	sadd.s32 $0x1600, s11  }
0xd: {  	v0 =	vimm.f32 $0.0e+00;
	v1 =	vimm.s32 $0x1;
	v2 =	vimm.s32 $0x2;
	s8 =	sadd.s32 $0xB400, s11;
	s9 =	sadd.s32 $0x15200, s11;
	s11 =	simm.s32 $0x5080  }
.LBB2_1:
0xe: {  	[tilespmem:s4], [sflag:$0x1] =	stream.linear.gather [hbm4b:s1+s4], $0x2780, $0x38;
	[tilespmem:$0x5100] =	vst v63  }
0xf: {  	_ =	swait.ge [sflag:s10], $0x2780  }
0x10: {  	[sflag:s10] =	ssyncset.done $0x0  }
0x11: {  	[sflag:s10] =	ssyncadd.s32 $0xFFFFD880  }
0x12: {  	[tilespmem:s11], [sflag:$0x1] =	stream.linear.gather [hbm4b:s3+s4], $0x80, $0x38;
	[tilespmem:$0x5100] =	vst v63  }
0x13: {  	_ =	swait.ge [sflag:s10], $0x80  }
0x14: {  	[sflag:s10] =	ssyncset.done $0x0  }
0x15: {  	s17 =	simm.s32 $0x40;
	s18 =	simm.s32 $0x0;
	[sflag:s10] =	ssyncadd.s32 $0xFFFFFF80  }
.LBB2_2:
0x16: {  	p0 =	sne.s32 s17, $0x9C00;
	[tilespmem:s18+$0x2780] =	vst v0;
	s18 =	smov.u32 s17;
	s17 =	sadd.s32 $0x40, s17  }
.Ltmp0:
0x17: {  	(pc) =	sbr.rel @p0 .LBB2_2-.Ltmp0, $2  }
0x18: {  	_ =	sdelay $0x2  }
0x19: {  	s18 =	sshra.s32 s18, $0x2  }
0x1a: {  	_ =	sdelay $0x2  }
0x1b: {  	[tilespmem:s18+$0x2780] =	vst v0  }
0x1c: {  	v3 =	vld.idx.msk [tilespmem:v1+s11+$0x0], $0xffff  }
0x1d: {  	s17 =	simm.s32 $0x0;
	v4 =	vld.idx.msk [tilespmem:v2+s11+$0x0], $0xffff  }
.LBB2_4:
0x1e: {  	s18 =	sadd.s32 s17, s9  }
0x1f: {  	[tilespmem:s12], [sflag:$0x1] =	stream.linear.gather [hbm4b:s18+s4], $0x50, $0x38;
	[tilespmem:$0x5100] =	vst v63  }
0x20: {  	_ =	swait.ge [sflag:s10], $0x50  }
0x21: {  	[sflag:s10] =	ssyncset.done $0x0  }
0x22: {  	s30 =	sadd.s32 s17, s8;
	[sflag:s10] =	ssyncadd.s32 $0xFFFFFFB0  }
0x23: {  	[tilespmem:s13], [sflag:$0x1] =	stream.linear.gather [hbm4b:s30+s4], $0x50, $0x38;
	[tilespmem:$0x5100] =	vst v63  }
0x24: {  	_ =	swait.ge [sflag:s10], $0x50  }
0x25: {  	[sflag:s10] =	ssyncset.done $0x0  }
0x26: {  	s31 =	sadd.s32 s17, s7;
	[sflag:s10] =	ssyncadd.s32 $0xFFFFFFB0  }
0x27: {  	[tilespmem:s14], [sflag:$0x1] =	stream.linear.gather [hbm4b:s31+s4], $0x50, $0x38;
	[tilespmem:$0x5100] =	vst v63  }
0x28: {  	_ =	swait.ge [sflag:s10], $0x50  }
0x29: {  	[sflag:s10] =	ssyncset.done $0x0  }
0x2a: {  	[sflag:s10] =	ssyncadd.s32 $0xFFFFFFB0  }
0x2b: {  	v5 =	vld [tilespmem:$0x4F00];
	_ =	sdelay $0x5  }
0x2c: {  	v6 =	vld [tilespmem:$0x5000];
	_ =	sdelay $0x1  }
0x2d: {  	v5 =	vld.idx.msk [tilespmem:v5+s4+$0x0], $0xffff;
	_ =	sdelay $0x1  }
0x2e: {  	v7 =	vld [tilespmem:$0x4F80]  }
0x2f: {  	v6 =	vmul.f32 v6, v3;
	_ =	sdelay $0x1  }
0x30: {  	v5 =	vadd.f32 v6, v5;
	_ =	sdelay $0x1  }
0x31: {  	v5 =	vadd.f32 v5, v4;
	_ =	sdelay $0x1  }
0x32: {  	v5 =	vmax.f32 v5, $0.0e+00  }
0x33: {  	[tilespmem:v7+s15+$0x0] =	vst.idx.add.f32.msk $0xffff, v5  }
0x34: {  	v5 =	vld [tilespmem:$0x4F10];
	_ =	sdelay $0x5  }
0x35: {  	v6 =	vld [tilespmem:$0x5010];
	_ =	sdelay $0x1  }
0x36: {  	v5 =	vld.idx.msk [tilespmem:v5+s4+$0x0], $0xffff;
	_ =	sdelay $0x1  }
0x37: {  	v7 =	vld [tilespmem:$0x4F90]  }
0x38: {  	v6 =	vmul.f32 v6, v3;
	_ =	sdelay $0x1  }
0x39: {  	v5 =	vadd.f32 v6, v5;
	_ =	sdelay $0x1  }
0x3a: {  	v5 =	vadd.f32 v5, v4;
	_ =	sdelay $0x1  }
0x3b: {  	v5 =	vmax.f32 v5, $0.0e+00  }
0x3c: {  	[tilespmem:v7+s15+$0x0] =	vst.idx.add.f32.msk $0xffff, v5  }
0x3d: {  	v5 =	vld [tilespmem:$0x4F20];
	_ =	sdelay $0x5  }
0x3e: {  	v6 =	vld [tilespmem:$0x5020];
	_ =	sdelay $0x1  }
0x3f: {  	v5 =	vld.idx.msk [tilespmem:v5+s4+$0x0], $0xffff;
	_ =	sdelay $0x1  }
0x40: {  	v7 =	vld [tilespmem:$0x4FA0]  }
0x41: {  	v6 =	vmul.f32 v6, v3;
	_ =	sdelay $0x1  }
0x42: {  	v5 =	vadd.f32 v6, v5;
	_ =	sdelay $0x1  }
0x43: {  	v5 =	vadd.f32 v5, v4;
	_ =	sdelay $0x1  }
0x44: {  	v5 =	vmax.f32 v5, $0.0e+00  }
0x45: {  	[tilespmem:v7+s15+$0x0] =	vst.idx.add.f32.msk $0xffff, v5  }
0x46: {  	v5 =	vld [tilespmem:$0x4F30];
	_ =	sdelay $0x5  }
0x47: {  	v6 =	vld [tilespmem:$0x5030];
	_ =	sdelay $0x1  }
0x48: {  	v5 =	vld.idx.msk [tilespmem:v5+s4+$0x0], $0xffff;
	_ =	sdelay $0x1  }
0x49: {  	v7 =	vld [tilespmem:$0x4FB0]  }
0x4a: {  	v6 =	vmul.f32 v6, v3;
	_ =	sdelay $0x1  }
0x4b: {  	v5 =	vadd.f32 v6, v5;
	_ =	sdelay $0x1  }
0x4c: {  	v5 =	vadd.f32 v5, v4;
	_ =	sdelay $0x1  }
0x4d: {  	v5 =	vmax.f32 v5, $0.0e+00  }
0x4e: {  	[tilespmem:v7+s15+$0x0] =	vst.idx.add.f32.msk $0xffff, v5  }
0x4f: {  	v5 =	vld [tilespmem:$0x4F40];
	_ =	sdelay $0x5  }
0x50: {  	v6 =	vld [tilespmem:$0x5040];
	_ =	sdelay $0x1  }
0x51: {  	v5 =	vld.idx.msk [tilespmem:v5+s4+$0x0], $0xffff;
	_ =	sdelay $0x1  }
0x52: {  	v7 =	vld [tilespmem:$0x4FC0]  }
0x53: {  	v6 =	vmul.f32 v6, v3;
	_ =	sdelay $0x1  }
0x54: {  	p0 =	sne.s32 s17, $0x4D8;
	v5 =	vadd.f32 v6, v5  }
.Ltmp1:
0x55: {  	_ = 	snop;
	(pc) =	sbr.rel @p0 .LBB2_4-.Ltmp1, $3  }
0x56: {  	v5 =	vadd.f32 v5, v4;
	_ =	sdelay $0x1  }
0x57: {  	v5 =	vmax.f32 v5, $0.0e+00  }
0x58: {  	s17 =	sadd.s32 $0xA, s17;
	[tilespmem:v7+s15+$0x0] =	vst.idx.add.f32.msk $0xffff, v5  }
0x59: {  	s16 =	sadd.s32 $0x1, s16  }
0x5a: {  	p0 =	sne.s32 s16, s6  }
.Ltmp2:
0x5b: {  	_ = 	snop;
	(pc) =	sbr.rel @p0 .LBB2_1-.Ltmp2, $4  }
0x5c: {  	[hbm4b:s5+s4] =	stream.linear.scatter [tilespmem:s15], [sflag:$0x1], $0x2710, $0x38;
	[tilespmem:$0x5100] =	vst v63  }
0x5d: {  	_ =	swait.ge [sflag:s10], $0x2710  }
0x5e: {  	[sflag:s10] =	ssyncset.done $0x0  }
0x5f: {  	[sflag:s10] =	ssyncadd.s32 $0xFFFFD8F0  }
0x60: {  	_ =	sfence.sel $0x180000  }
0x61: {  	[bflag:$0x0] =	sbarrier.arrive $0xFFFF  }
0x62: {  	p0 =	sne.s32 s0, $0x0;
	_ =	strace $0x90000047  }
0x63: {  	s0 =	sadd.s32 @!p0 $0x100000, s2;
	[bflag:$0x2] =	sbarrier.arrive $0xFFFF  }
0x64: {  	[sflag:s0] =	ssyncadd.tile.s32 @!p0 $0x1;
	_ =	shalt  }
.Lfunc_end2:
_tile_overlayer_lowered:
.L_overlay_start_2:
0x65: {  	(tag) =	ssettag $0x2  }
0x66: {  	s0 =	rddreg [dreg:$0x0];
	s2 =	stileid.u32  }
0x67: {  	s1 =	rddreg [dreg:$0x1];
	p0 =	sne.s32 s2, $0x0  }
0x68: {  	s3 =	rddreg [dreg:$0x2];
	[bflag:$0x3] =	sbarrier.arrive $0xFFFF;
	s2 =	simm.s32 @!p0 $0x1C01  }
0x69: {  	[timem:s3], [sflag:s2] =	dma.local @!p0 [hbm:s0], s1  }
0x6a: {  	s0 =	simm.s32 @!p0 $0x1  }
0x6b: {  	_ =	swait.ge @!p0 [sflag:s0], s1  }
0x6c: {  	s1 =	ssub.s32 @!p0 $0x0, s1;
	[sflag:s0] =	ssyncset.done @!p0 $0x0  }
0x6d: {  	[sflag:s0] =	ssyncadd.s32 @!p0 s1  }
0x6e: {  	[bflag:$0x3] =	sbarrier.arrive $0xFFFF  }
0x6f: {  	_ =	shalt  }

</sc_bundles>
